<compile_context>
chip_gen: v7x
topology: tpu7x:2x2x1
jax: 0.10.2.dev20260603
libtpu: 0.0.44.dev20260713+nightly
codegen_flags: <defaults>
</compile_context>

<pallas_src>
import functools

import jax
import jax.numpy as jnp
from jax import lax
from jax.experimental import pallas as pl
from jax.experimental.pallas import tpu as pltpu
from jax.experimental.pallas import tpu_sc as plsc

N_NODES = 10000
N_EDGES = 320000
D = 128

NC = 2
NS = 16
NW = NC * NS

CHUNK = 96
E_PER_W = N_EDGES // NW
CH = E_PER_W // CHUNK
TAIL = E_PER_W - CH * CHUNK
STAGES = 4
SLAB = CH // STAGES
NBUF = 3
ROWS_PER_TILE = 624
ROWS_REM = N_NODES - NS * ROWS_PER_TILE


def _sc_gather_scatter(feature, src_main, dst_main, src_tail, dst_tail, zeros):
  mesh = plsc.VectorSubcoreMesh(core_axis_name="c", subcore_axis_name="s")

  @functools.partial(
      pl.kernel,
      mesh=mesh,
      out_type=jax.ShapeDtypeStruct((NC * N_NODES, D), jnp.float32),
      scratch_types=[
          pltpu.VMEM((SLAB, CHUNK), jnp.int32),
          pltpu.VMEM((SLAB, CHUNK), jnp.int32),
          pltpu.VMEM((TAIL,), jnp.int32),
          pltpu.VMEM((TAIL,), jnp.int32),
          pltpu.VMEM((CHUNK, D), jnp.float32),
          pltpu.VMEM((CHUNK, D), jnp.float32),
          pltpu.VMEM((CHUNK, D), jnp.float32),
          pltpu.VMEM_SHARED((N_NODES, D), jnp.float32),
          pltpu.SemaphoreType.DMA,
          pltpu.SemaphoreType.DMA,
          pltpu.SemaphoreType.DMA,
          pltpu.SemaphoreType.DMA,
          pltpu.SemaphoreType.DMA,
          pltpu.SemaphoreType.DMA,
          pltpu.SemaphoreType.DMA,
      ],
  )
  def k(feat_hbm, srcm_hbm, dstm_hbm, srct_hbm, dstt_hbm, zero_hbm, out_hbm,
        src_v, dst_v, srct_v, dstt_v, r0_v, r1_v, r2_v, acc_s,
        gsem0, gsem1, gsem2, ssem0, ssem1, ssem2, zsem):
    c = lax.axis_index("c")
    s = lax.axis_index("s")
    wid = s * NC + c

    bufs = (r0_v, r1_v, r2_v)
    gsems = (gsem0, gsem1, gsem2)
    ssems = (ssem0, ssem1, ssem2)

    pltpu.async_copy(zero_hbm,
                     acc_s.at[pl.ds(s * ROWS_PER_TILE, ROWS_PER_TILE)], zsem)

    @pl.when(s == NS - 1)
    def _():
      pltpu.async_copy(zero_hbm.at[pl.ds(0, ROWS_REM)],
                       acc_s.at[pl.ds(NS * ROWS_PER_TILE, ROWS_REM)], zsem)

    pltpu.sync_copy(srct_hbm.at[pl.ds(wid * TAIL, TAIL)], srct_v)
    pltpu.sync_copy(dstt_hbm.at[pl.ds(wid * TAIL, TAIL)], dstt_v)

    def start_gather(j, b):
      pltpu.async_copy(feat_hbm.at[src_v.at[j]], bufs[b], gsems[b])

    def wait_gather(j, b):
      pltpu.make_async_copy(feat_hbm.at[src_v.at[j]], bufs[b],
                            gsems[b]).wait()

    def start_scatter(j, b):
      pltpu.async_copy(bufs[b], acc_s.at[dst_v.at[j]], ssems[b], add=True)

    def wait_scatter(j, b):
      pltpu.make_async_copy(bufs[b], acc_s.at[dst_v.at[j]], ssems[b]).wait()

    def stage_body(st, carry):
      pltpu.sync_copy(srcm_hbm.at[wid * STAGES + st], src_v)
      pltpu.sync_copy(dstm_hbm.at[wid * STAGES + st], dst_v)
      start_gather(0, 0)
      start_gather(1, 1)

      @pl.when(st == 0)
      def _():
        pltpu.make_async_copy(
            zero_hbm, acc_s.at[pl.ds(s * ROWS_PER_TILE, ROWS_PER_TILE)],
            zsem).wait()

        @pl.when(s == NS - 1)
        def _():
          pltpu.make_async_copy(
              zero_hbm.at[pl.ds(0, ROWS_REM)],
              acc_s.at[pl.ds(NS * ROWS_PER_TILE, ROWS_REM)], zsem).wait()

        plsc.subcore_barrier()

      def tri(i, carry2):
        for d in range(NBUF):
          j = NBUF * i + d
          t2 = (d + 2) % NBUF
          wait_gather(j, d)
          start_scatter(j, d)

          @pl.when(j >= 1)
          def _():
            wait_scatter(j - 1, t2)

          start_gather(j + 2, t2)
        return carry2

      lax.fori_loop(0, SLAB // NBUF, tri, 0)
      for j, t in ((SLAB - 2, (SLAB - 2) % NBUF), (SLAB - 1, (SLAB - 1) % NBUF)):
        wait_gather(jnp.int32(j), t)
        start_scatter(jnp.int32(j), t)
      for j in range(SLAB - NBUF, SLAB):
        wait_scatter(jnp.int32(j), j % NBUF)
      return carry

    lax.fori_loop(0, STAGES, stage_body, 0)

    pltpu.async_copy(feat_hbm.at[srct_v], r0_v.at[pl.ds(0, TAIL)],
                     gsem0).wait()
    pltpu.sync_copy(r0_v.at[pl.ds(0, TAIL)], acc_s.at[dstt_v], add=True)

    plsc.subcore_barrier()
    pltpu.sync_copy(
        acc_s.at[pl.ds(s * ROWS_PER_TILE, ROWS_PER_TILE)],
        out_hbm.at[pl.ds(c * N_NODES + s * ROWS_PER_TILE, ROWS_PER_TILE)])

    @pl.when(s == NS - 1)
    def _():
      pltpu.sync_copy(
          acc_s.at[pl.ds(NS * ROWS_PER_TILE, ROWS_REM)],
          out_hbm.at[pl.ds(c * N_NODES + NS * ROWS_PER_TILE, ROWS_REM)])

  return k(feature, src_main, dst_main, src_tail, dst_tail, zeros)


def _tc_linear_kernel(h0_ref, h1_ref, w_ref, b_ref, o_ref):
  h = h0_ref[...] + h1_ref[...]
  o_ref[...] = lax.dot_general(
      h, w_ref[...], (((1,), (1,)), ((), ())),
      preferred_element_type=jnp.float32) + b_ref[...]


def kernel(feature, edge_index, W, b):
  src = edge_index[0]
  dst = edge_index[1]
  n_main = NW * CH * CHUNK
  src_main = src[:n_main].reshape(NW * STAGES, SLAB, CHUNK)
  dst_main = dst[:n_main].reshape(NW * STAGES, SLAB, CHUNK)
  src_tail = src[n_main:]
  dst_tail = dst[n_main:]
  zeros = jnp.zeros((ROWS_PER_TILE, D), jnp.float32)

  partials = _sc_gather_scatter(feature, src_main, dst_main,
                                src_tail, dst_tail, zeros)
  out = pl.pallas_call(
      _tc_linear_kernel,
      grid=(1,),
      in_specs=[
          pl.BlockSpec((N_NODES, D), lambda i: (0, 0)),
          pl.BlockSpec((N_NODES, D), lambda i: (1, 0)),
          pl.BlockSpec((D, D), lambda i: (0, 0)),
          pl.BlockSpec((1, D), lambda i: (0, 0)),
      ],
      out_specs=pl.BlockSpec((N_NODES, D), lambda i: (0, 0)),
      out_shape=jax.ShapeDtypeStruct((N_NODES, D), jnp.float32),
  )(partials, partials, W, b.reshape(1, D))
  return out

# --- scband reference (transcript-rebuilt; emitter-appended) ---
"""Pipeline reference for scband-gcnlayer-64561948393627 (READ-ONLY COPY).

The authoritative reference and input builder live on the scoring server;
editing this copy changes nothing except your own understanding.
"""

import jax, jax.numpy as jnp
import numpy as np

N_NODES = 10000
N_EDGES = 320000
D_IN = 128
D_OUT = 128


def setup_inputs(seed: int = 0) -> dict:
    key = jax.random.key(seed)
    k1, k2, k3, k4 = jax.random.split(key, 4)
    feature = jax.random.normal(k1, (N_NODES, D_IN), dtype=jnp.float32)
    edge_index = jax.random.randint(k2, (2, N_EDGES), 0, N_NODES, dtype=jnp.int32)
    # nn.Linear(in_feats, out_feats) parameters
    bound = 1.0 / np.sqrt(D_IN)
    W = jax.random.uniform(k3, (D_OUT, D_IN), dtype=jnp.float32, minval=-bound, maxval=bound)
    b = jax.random.uniform(k4, (D_OUT,), dtype=jnp.float32, minval=-bound, maxval=bound)
    return {"feature": feature, "edge_index": edge_index, "W": W, "b": b}


def reference(feature, edge_index, W, b):
    # DGL update_all(copy_u('h','m'), sum('m','h')):
    # gather source features along edges, scatter-add into destination nodes
    src = edge_index[0]
    dst = edge_index[1]
    msg = jnp.take(feature, src, axis=0)           # gather: [E, D_IN]
    h = jax.ops.segment_sum(msg, dst, num_segments=N_NODES)  # scatter-add: [N, D_IN]
    # self.linear(h)
    return h @ W.T + b

if __name__ == "__main__":
    import jax
    _d = setup_inputs()
    print(jax.jit(kernel)(*tuple(_d.values())))

</pallas_src>

<mosaic_0001>
#map = affine_map<(d0, d1) -> (0, 0)>
#map1 = affine_map<(d0, d1) -> (0, 0, 0)>
#map2 = affine_map<(d0, d1) -> (0)>
module attributes {stable_mosaic.version = 14 : i64} {
  func.func @k(%arg0: i32, %arg1: i32, %arg2: memref<10000x128xf32, #tpu.memory_space<hbm>>, %arg3: memref<128x26x96xi32, #tpu.memory_space<hbm>>, %arg4: memref<128x26x96xi32, #tpu.memory_space<hbm>>, %arg5: memref<512xi32, #tpu.memory_space<hbm>>, %arg6: memref<512xi32, #tpu.memory_space<hbm>>, %arg7: memref<624x128xf32, #tpu.memory_space<hbm>>, %arg8: memref<20000x128xf32, #tpu.memory_space<hbm>>, %arg9: memref<26x96xi32, #tpu.memory_space<vmem>>, %arg10: memref<26x96xi32, #tpu.memory_space<vmem>>, %arg11: memref<16xi32, #tpu.memory_space<vmem>>, %arg12: memref<16xi32, #tpu.memory_space<vmem>>, %arg13: memref<96x128xf32, #tpu.memory_space<vmem>>, %arg14: memref<96x128xf32, #tpu.memory_space<vmem>>, %arg15: memref<96x128xf32, #tpu.memory_space<vmem>>, %arg16: memref<10000x128xf32, #tpu.memory_space<vmem_shared>>, %arg17: memref<!tpu.dma_semaphore, #tpu.memory_space<semaphore_mem>>, %arg18: memref<!tpu.dma_semaphore, #tpu.memory_space<semaphore_mem>>, %arg19: memref<!tpu.dma_semaphore, #tpu.memory_space<semaphore_mem>>, %arg20: memref<!tpu.dma_semaphore, #tpu.memory_space<semaphore_mem>>, %arg21: memref<!tpu.dma_semaphore, #tpu.memory_space<semaphore_mem>>, %arg22: memref<!tpu.dma_semaphore, #tpu.memory_space<semaphore_mem>>, %arg23: memref<!tpu.dma_semaphore, #tpu.memory_space<semaphore_mem>>) attributes {dimension_semantics = [#tpu.dimension_semantics<core_parallel>, #tpu.dimension_semantics<subcore_parallel>], iteration_bounds = array<i64: 2, 16>, scalar_prefetch = 0 : i64, scratch_operands = 15 : i64, tpu.core_type = #tpu.core_type<sc_vector_subcore>, window_params = [{transform_indices = #map}, {transform_indices = #map1}, {transform_indices = #map1}, {transform_indices = #map2}, {transform_indices = #map2}, {transform_indices = #map}, {transform_indices = #map}]} {
    %mul3A = arith.constant 2 : i32
    %mul3A_0 = arith.muli %arg1, %mul3A : i32
    %add3A = arith.addi %mul3A_0, %arg0 : i32
    %mul3A_1 = arith.constant 624 : i32
    %mul3A_2 = arith.muli %arg1, %mul3A_1 : i32
    %dma_start3A = arith.constant 0 : i32
    %dma_start3A_3 = tpu.memref_slice %arg16[%mul3A_2, %dma_start3A] : memref<10000x128xf32, #tpu.memory_space<vmem_shared>> -> memref<624x128xf32, #tpu.memory_space<vmem_shared>>
    tpu.enqueue_dma source(%arg7 : memref<624x128xf32, #tpu.memory_space<hbm>>) target(%dma_start3A_3 : memref<624x128xf32, #tpu.memory_space<vmem_shared>>) target_semaphore(%arg23 : memref<!tpu.dma_semaphore, #tpu.memory_space<semaphore_mem>>)
    %eq3A = arith.constant 15 : i32
    %eq3A_4 = arith.cmpi eq, %arg1, %eq3A : i32
    %convert_element_type3A = arith.extui %eq3A_4 : i1 to i32
    %cond3A = arith.constant 0 : i32
    %cond3A_5 = arith.cmpi ne, %convert_element_type3A, %cond3A : i32
    scf.if %cond3A_5 {
      %dma_start3A_38 = arith.constant 9984 : i32
      %dma_start3A_39 = arith.constant 0 : i32
      %dma_start3A_40 = tpu.memref_slice %arg16[%dma_start3A_38, %dma_start3A_39] : memref<10000x128xf32, #tpu.memory_space<vmem_shared>> -> memref<16x128xf32, #tpu.memory_space<vmem_shared>>
      %dma_start3A_41 = arith.constant 0 : i32
      %dma_start3A_42 = arith.constant 0 : i32
      %dma_start3A_43 = tpu.memref_slice %arg7[%dma_start3A_41, %dma_start3A_42] : memref<624x128xf32, #tpu.memory_space<hbm>> -> memref<16x128xf32, #tpu.memory_space<hbm>>
      tpu.enqueue_dma source(%dma_start3A_43 : memref<16x128xf32, #tpu.memory_space<hbm>>) target(%dma_start3A_40 : memref<16x128xf32, #tpu.memory_space<vmem_shared>>) target_semaphore(%arg23 : memref<!tpu.dma_semaphore, #tpu.memory_space<semaphore_mem>>)
    } else {
    }
    %mul3A_6 = arith.constant 16 : i32
    %mul3A_7 = arith.muli %add3A, %mul3A_6 : i32
    "tpu.region"() ({
      %run_scoped3A = tpu.sem_alloc : memref<!tpu.dma_semaphore, #tpu.memory_space<semaphore_mem>>
      %dma_start3A_38 = tpu.memref_slice %arg5[%mul3A_7] : memref<512xi32, #tpu.memory_space<hbm>> -> memref<16xi32, #tpu.memory_space<hbm>>
      %dma_start3A_39 = tpu.memref_slice %arg5[%mul3A_7] : memref<512xi32, #tpu.memory_space<hbm>> -> memref<16xi32, #tpu.memory_space<hbm>>
      tpu.enqueue_dma source(%dma_start3A_39 : memref<16xi32, #tpu.memory_space<hbm>>) target(%arg11 : memref<16xi32, #tpu.memory_space<vmem>>) target_semaphore(%run_scoped3A : memref<!tpu.dma_semaphore, #tpu.memory_space<semaphore_mem>>)
      %dma_wait3A_40 = tpu.memref_slice %arg5[%mul3A_7] : memref<512xi32, #tpu.memory_space<hbm>> -> memref<16xi32, #tpu.memory_space<hbm>>
      %dma_wait3A_41 = tpu.memref_slice %arg5[%mul3A_7] : memref<512xi32, #tpu.memory_space<hbm>> -> memref<16xi32, #tpu.memory_space<hbm>>
      tpu.wait_dma2 semaphore(%run_scoped3A : memref<!tpu.dma_semaphore, #tpu.memory_space<semaphore_mem>>) src(%dma_wait3A_41 : memref<16xi32, #tpu.memory_space<hbm>>) dst(%arg11 : memref<16xi32, #tpu.memory_space<vmem>>)
      tpu.yield
    }) : () -> ()
    %mul3A_8 = arith.constant 16 : i32
    %mul3A_9 = arith.muli %add3A, %mul3A_8 : i32
    "tpu.region"() ({
      %run_scoped3A = tpu.sem_alloc : memref<!tpu.dma_semaphore, #tpu.memory_space<semaphore_mem>>
      %dma_start3A_38 = tpu.memref_slice %arg6[%mul3A_9] : memref<512xi32, #tpu.memory_space<hbm>> -> memref<16xi32, #tpu.memory_space<hbm>>
      %dma_start3A_39 = tpu.memref_slice %arg6[%mul3A_9] : memref<512xi32, #tpu.memory_space<hbm>> -> memref<16xi32, #tpu.memory_space<hbm>>
      tpu.enqueue_dma source(%dma_start3A_39 : memref<16xi32, #tpu.memory_space<hbm>>) target(%arg12 : memref<16xi32, #tpu.memory_space<vmem>>) target_semaphore(%run_scoped3A : memref<!tpu.dma_semaphore, #tpu.memory_space<semaphore_mem>>)
      %dma_wait3A_40 = tpu.memref_slice %arg6[%mul3A_9] : memref<512xi32, #tpu.memory_space<hbm>> -> memref<16xi32, #tpu.memory_space<hbm>>
      %dma_wait3A_41 = tpu.memref_slice %arg6[%mul3A_9] : memref<512xi32, #tpu.memory_space<hbm>> -> memref<16xi32, #tpu.memory_space<hbm>>
      tpu.wait_dma2 semaphore(%run_scoped3A : memref<!tpu.dma_semaphore, #tpu.memory_space<semaphore_mem>>) src(%dma_wait3A_41 : memref<16xi32, #tpu.memory_space<hbm>>) dst(%arg12 : memref<16xi32, #tpu.memory_space<vmem>>)
      tpu.yield
    }) : () -> ()
    %scan3A = arith.constant 0 : i32
    %scan3A_10 = arith.constant 0 : i32
    %scan3A_11 = arith.constant 4 : i32
    %scan3A_12 = arith.addi %scan3A_10, %scan3A_11 : i32
    %scan3A_13 = arith.constant 1 : i32
    scf.for %scan3A_38 = %scan3A_10 to %scan3A_12 step %scan3A_13  : i32 {
      %mul3A_39 = arith.constant 4 : i32
      %mul3A_40 = arith.muli %add3A, %mul3A_39 : i32
      %add3A_41 = arith.addi %mul3A_40, %scan3A_38 : i32
      "tpu.region"() ({
        %run_scoped3A = tpu.sem_alloc : memref<!tpu.dma_semaphore, #tpu.memory_space<semaphore_mem>>
        %dma_start3A_119 = arith.constant 0 : i32
        %dma_start3A_120 = arith.constant 0 : i32
        %dma_start3A_121 = tpu.memref_slice %arg3[%add3A_41, %dma_start3A_119, %dma_start3A_120] : memref<128x26x96xi32, #tpu.memory_space<hbm>> -> memref<1x26x96xi32, #tpu.memory_space<hbm>>
        %dma_start3A_122 = tpu.memref_squeeze %dma_start3A_121 : memref<1x26x96xi32, #tpu.memory_space<hbm>> -> memref<26x96xi32, #tpu.memory_space<hbm>>
        %dma_start3A_123 = arith.constant 0 : i32
        %dma_start3A_124 = arith.constant 0 : i32
        %dma_start3A_125 = tpu.memref_slice %arg3[%add3A_41, %dma_start3A_123, %dma_start3A_124] : memref<128x26x96xi32, #tpu.memory_space<hbm>> -> memref<1x26x96xi32, #tpu.memory_space<hbm>>
        %dma_start3A_126 = tpu.memref_squeeze %dma_start3A_125 : memref<1x26x96xi32, #tpu.memory_space<hbm>> -> memref<26x96xi32, #tpu.memory_space<hbm>>
        tpu.enqueue_dma source(%dma_start3A_126 : memref<26x96xi32, #tpu.memory_space<hbm>>) target(%arg9 : memref<26x96xi32, #tpu.memory_space<vmem>>) target_semaphore(%run_scoped3A : memref<!tpu.dma_semaphore, #tpu.memory_space<semaphore_mem>>)
        %dma_wait3A_127 = arith.constant 0 : i32
        %dma_wait3A_128 = arith.constant 0 : i32
        %dma_wait3A_129 = tpu.memref_slice %arg3[%add3A_41, %dma_wait3A_127, %dma_wait3A_128] : memref<128x26x96xi32, #tpu.memory_space<hbm>> -> memref<1x26x96xi32, #tpu.memory_space<hbm>>
        %dma_wait3A_130 = tpu.memref_squeeze %dma_wait3A_129 : memref<1x26x96xi32, #tpu.memory_space<hbm>> -> memref<26x96xi32, #tpu.memory_space<hbm>>
        %dma_wait3A_131 = arith.constant 0 : i32
        %dma_wait3A_132 = arith.constant 0 : i32
        %dma_wait3A_133 = tpu.memref_slice %arg3[%add3A_41, %dma_wait3A_131, %dma_wait3A_132] : memref<128x26x96xi32, #tpu.memory_space<hbm>> -> memref<1x26x96xi32, #tpu.memory_space<hbm>>
        %dma_wait3A_134 = tpu.memref_squeeze %dma_wait3A_133 : memref<1x26x96xi32, #tpu.memory_space<hbm>> -> memref<26x96xi32, #tpu.memory_space<hbm>>
        tpu.wait_dma2 semaphore(%run_scoped3A : memref<!tpu.dma_semaphore, #tpu.memory_space<semaphore_mem>>) src(%dma_wait3A_134 : memref<26x96xi32, #tpu.memory_space<hbm>>) dst(%arg9 : memref<26x96xi32, #tpu.memory_space<vmem>>)
        tpu.yield
      }) : () -> ()
      %mul3A_42 = arith.constant 4 : i32
      %mul3A_43 = arith.muli %add3A, %mul3A_42 : i32
      %add3A_44 = arith.addi %mul3A_43, %scan3A_38 : i32
      "tpu.region"() ({
        %run_scoped3A = tpu.sem_alloc : memref<!tpu.dma_semaphore, #tpu.memory_space<semaphore_mem>>
        %dma_start3A_119 = arith.constant 0 : i32
        %dma_start3A_120 = arith.constant 0 : i32
        %dma_start3A_121 = tpu.memref_slice %arg4[%add3A_44, %dma_start3A_119, %dma_start3A_120] : memref<128x26x96xi32, #tpu.memory_space<hbm>> -> memref<1x26x96xi32, #tpu.memory_space<hbm>>
        %dma_start3A_122 = tpu.memref_squeeze %dma_start3A_121 : memref<1x26x96xi32, #tpu.memory_space<hbm>> -> memref<26x96xi32, #tpu.memory_space<hbm>>
        %dma_start3A_123 = arith.constant 0 : i32
        %dma_start3A_124 = arith.constant 0 : i32
        %dma_start3A_125 = tpu.memref_slice %arg4[%add3A_44, %dma_start3A_123, %dma_start3A_124] : memref<128x26x96xi32, #tpu.memory_space<hbm>> -> memref<1x26x96xi32, #tpu.memory_space<hbm>>
        %dma_start3A_126 = tpu.memref_squeeze %dma_start3A_125 : memref<1x26x96xi32, #tpu.memory_space<hbm>> -> memref<26x96xi32, #tpu.memory_space<hbm>>
        tpu.enqueue_dma source(%dma_start3A_126 : memref<26x96xi32, #tpu.memory_space<hbm>>) target(%arg10 : memref<26x96xi32, #tpu.memory_space<vmem>>) target_semaphore(%run_scoped3A : memref<!tpu.dma_semaphore, #tpu.memory_space<semaphore_mem>>)
        %dma_wait3A_127 = arith.constant 0 : i32
        %dma_wait3A_128 = arith.constant 0 : i32
        %dma_wait3A_129 = tpu.memref_slice %arg4[%add3A_44, %dma_wait3A_127, %dma_wait3A_128] : memref<128x26x96xi32, #tpu.memory_space<hbm>> -> memref<1x26x96xi32, #tpu.memory_space<hbm>>
        %dma_wait3A_130 = tpu.memref_squeeze %dma_wait3A_129 : memref<1x26x96xi32, #tpu.memory_space<hbm>> -> memref<26x96xi32, #tpu.memory_space<hbm>>
        %dma_wait3A_131 = arith.constant 0 : i32
        %dma_wait3A_132 = arith.constant 0 : i32
        %dma_wait3A_133 = tpu.memref_slice %arg4[%add3A_44, %dma_wait3A_131, %dma_wait3A_132] : memref<128x26x96xi32, #tpu.memory_space<hbm>> -> memref<1x26x96xi32, #tpu.memory_space<hbm>>
        %dma_wait3A_134 = tpu.memref_squeeze %dma_wait3A_133 : memref<1x26x96xi32, #tpu.memory_space<hbm>> -> memref<26x96xi32, #tpu.memory_space<hbm>>
        tpu.wait_dma2 semaphore(%run_scoped3A : memref<!tpu.dma_semaphore, #tpu.memory_space<semaphore_mem>>) src(%dma_wait3A_134 : memref<26x96xi32, #tpu.memory_space<hbm>>) dst(%arg10 : memref<26x96xi32, #tpu.memory_space<vmem>>)
        tpu.yield
      }) : () -> ()
      %dma_start3A_45 = arith.constant 0 : i32
      %dma_start3A_46 = arith.constant 0 : i32
      %dma_start3A_47 = tpu.memref_slice %arg9[%dma_start3A_45, %dma_start3A_46] : memref<26x96xi32, #tpu.memory_space<vmem>> -> memref<1x96xi32, #tpu.memory_space<vmem>>
      %dma_start3A_48 = tpu.memref_squeeze %dma_start3A_47 : memref<1x96xi32, #tpu.memory_space<vmem>> -> memref<96xi32, #tpu.memory_space<vmem>>
      %dma_start3A_49 = arith.constant 0 : i32
      %dma_start3A_50 = arith.constant 0 : i32
      %dma_start3A_51 = tpu.memref_slice %arg2[%dma_start3A_49, %dma_start3A_50] : memref<10000x128xf32, #tpu.memory_space<hbm>> -> memref<10000x128xf32, #tpu.memory_space<hbm>>
      tpu.enqueue_indirect_dma source(%dma_start3A_51 : memref<10000x128xf32, #tpu.memory_space<hbm>>) target(%arg13 : memref<96x128xf32, #tpu.memory_space<vmem>>) offsets(%dma_start3A_48 : memref<96xi32, #tpu.memory_space<vmem>>) semaphore(%arg17 : memref<!tpu.dma_semaphore, #tpu.memory_space<semaphore_mem>>)
      %dma_start3A_52 = arith.constant 1 : i32
      %dma_start3A_53 = arith.constant 0 : i32
      %dma_start3A_54 = tpu.memref_slice %arg9[%dma_start3A_52, %dma_start3A_53] : memref<26x96xi32, #tpu.memory_space<vmem>> -> memref<1x96xi32, #tpu.memory_space<vmem>>
      %dma_start3A_55 = tpu.memref_squeeze %dma_start3A_54 : memref<1x96xi32, #tpu.memory_space<vmem>> -> memref<96xi32, #tpu.memory_space<vmem>>
      %dma_start3A_56 = arith.constant 0 : i32
      %dma_start3A_57 = arith.constant 0 : i32
      %dma_start3A_58 = tpu.memref_slice %arg2[%dma_start3A_56, %dma_start3A_57] : memref<10000x128xf32, #tpu.memory_space<hbm>> -> memref<10000x128xf32, #tpu.memory_space<hbm>>
      tpu.enqueue_indirect_dma source(%dma_start3A_58 : memref<10000x128xf32, #tpu.memory_space<hbm>>) target(%arg14 : memref<96x128xf32, #tpu.memory_space<vmem>>) offsets(%dma_start3A_55 : memref<96xi32, #tpu.memory_space<vmem>>) semaphore(%arg18 : memref<!tpu.dma_semaphore, #tpu.memory_space<semaphore_mem>>)
      %eq3A_59 = arith.constant 0 : i32
      %eq3A_60 = arith.cmpi eq, %scan3A_38, %eq3A_59 : i32
      %convert_element_type3A_61 = arith.extui %eq3A_60 : i1 to i32
      %cond3A_62 = arith.constant 0 : i32
      %cond3A_63 = arith.cmpi ne, %convert_element_type3A_61, %cond3A_62 : i32
      scf.if %cond3A_63 {
        %mul3A_119 = arith.constant 624 : i32
        %mul3A_120 = arith.muli %arg1, %mul3A_119 : i32
        %dma_wait3A_121 = arith.constant 0 : i32
        %dma_wait3A_122 = tpu.memref_slice %arg16[%mul3A_120, %dma_wait3A_121] : memref<10000x128xf32, #tpu.memory_space<vmem_shared>> -> memref<624x128xf32, #tpu.memory_space<vmem_shared>>
        tpu.wait_dma2 semaphore(%arg23 : memref<!tpu.dma_semaphore, #tpu.memory_space<semaphore_mem>>) src(%arg7 : memref<624x128xf32, #tpu.memory_space<hbm>>) dst(%dma_wait3A_122 : memref<624x128xf32, #tpu.memory_space<vmem_shared>>)
        %eq3A_123 = arith.constant 15 : i32
        %eq3A_124 = arith.cmpi eq, %arg1, %eq3A_123 : i32
        %convert_element_type3A_125 = arith.extui %eq3A_124 : i1 to i32
        %cond3A_126 = arith.constant 0 : i32
        %cond3A_127 = arith.cmpi ne, %convert_element_type3A_125, %cond3A_126 : i32
        scf.if %cond3A_127 {
          %dma_wait3A_129 = arith.constant 9984 : i32
          %dma_wait3A_130 = arith.constant 0 : i32
          %dma_wait3A_131 = tpu.memref_slice %arg16[%dma_wait3A_129, %dma_wait3A_130] : memref<10000x128xf32, #tpu.memory_space<vmem_shared>> -> memref<16x128xf32, #tpu.memory_space<vmem_shared>>
          %dma_wait3A_132 = arith.constant 0 : i32
          %dma_wait3A_133 = arith.constant 0 : i32
          %dma_wait3A_134 = tpu.memref_slice %arg7[%dma_wait3A_132, %dma_wait3A_133] : memref<624x128xf32, #tpu.memory_space<hbm>> -> memref<16x128xf32, #tpu.memory_space<hbm>>
          tpu.wait_dma2 semaphore(%arg23 : memref<!tpu.dma_semaphore, #tpu.memory_space<semaphore_mem>>) src(%dma_wait3A_134 : memref<16x128xf32, #tpu.memory_space<hbm>>) dst(%dma_wait3A_131 : memref<16x128xf32, #tpu.memory_space<vmem_shared>>)
        } else {
        }
        %barrier3A_128 = arith.constant 0 : index
        tpu.barrier barrier_id(%barrier3A_128)
      } else {
      }
      %scan3A_64 = arith.constant 0 : i32
      %scan3A_65 = arith.constant 0 : i32
      %scan3A_66 = arith.constant 8 : i32
      %scan3A_67 = arith.addi %scan3A_65, %scan3A_66 : i32
      %scan3A_68 = arith.constant 1 : i32
      scf.for %scan3A_119 = %scan3A_65 to %scan3A_67 step %scan3A_68  : i32 {
        %mul3A_120 = arith.constant 3 : i32
        %mul3A_121 = arith.muli %mul3A_120, %scan3A_119 : i32
        %add3A_122 = arith.constant 0 : i32
        %add3A_123 = arith.addi %mul3A_121, %add3A_122 : i32
        %dma_wait3A_124 = arith.constant 0 : i32
        %dma_wait3A_125 = tpu.memref_slice %arg9[%add3A_123, %dma_wait3A_124] : memref<26x96xi32, #tpu.memory_space<vmem>> -> memref<1x96xi32, #tpu.memory_space<vmem>>
        %dma_wait3A_126 = tpu.memref_squeeze %dma_wait3A_125 : memref<1x96xi32, #tpu.memory_space<vmem>> -> memref<96xi32, #tpu.memory_space<vmem>>
        %dma_wait3A_127 = arith.constant 0 : i32
        %dma_wait3A_128 = arith.constant 0 : i32
        %dma_wait3A_129 = tpu.memref_slice %arg2[%dma_wait3A_127, %dma_wait3A_128] : memref<10000x128xf32, #tpu.memory_space<hbm>> -> memref<10000x128xf32, #tpu.memory_space<hbm>>
        tpu.wait_indirect_dma semaphore(%arg17 : memref<!tpu.dma_semaphore, #tpu.memory_space<semaphore_mem>>) src(%dma_wait3A_129 : memref<10000x128xf32, #tpu.memory_space<hbm>>) dst(%arg13 : memref<96x128xf32, #tpu.memory_space<vmem>>)
        %dma_start3A_130 = arith.constant 0 : i32
        %dma_start3A_131 = tpu.memref_slice %arg10[%add3A_123, %dma_start3A_130] : memref<26x96xi32, #tpu.memory_space<vmem>> -> memref<1x96xi32, #tpu.memory_space<vmem>>
        %dma_start3A_132 = tpu.memref_squeeze %dma_start3A_131 : memref<1x96xi32, #tpu.memory_space<vmem>> -> memref<96xi32, #tpu.memory_space<vmem>>
        %dma_start3A_133 = arith.constant 0 : i32
        %dma_start3A_134 = arith.constant 0 : i32
        %dma_start3A_135 = tpu.memref_slice %arg16[%dma_start3A_133, %dma_start3A_134] : memref<10000x128xf32, #tpu.memory_space<vmem_shared>> -> memref<10000x128xf32, #tpu.memory_space<vmem_shared>>
        tpu.enqueue_indirect_dma source(%arg13 : memref<96x128xf32, #tpu.memory_space<vmem>>) target(%dma_start3A_135 : memref<10000x128xf32, #tpu.memory_space<vmem_shared>>) offsets(%dma_start3A_132 : memref<96xi32, #tpu.memory_space<vmem>>) semaphore(%arg20 : memref<!tpu.dma_semaphore, #tpu.memory_space<semaphore_mem>>) {add = true}
        %ge3A = arith.constant 1 : i32
        %ge3A_136 = arith.cmpi sge, %add3A_123, %ge3A : i32
        %convert_element_type3A_137 = arith.extui %ge3A_136 : i1 to i32
        %cond3A_138 = arith.constant 0 : i32
        %cond3A_139 = arith.cmpi ne, %convert_element_type3A_137, %cond3A_138 : i32
        scf.if %cond3A_139 {
          %sub3A = arith.constant 1 : i32
          %sub3A_206 = arith.subi %add3A_123, %sub3A : i32
          %dma_wait3A_207 = arith.constant 0 : i32
          %dma_wait3A_208 = tpu.memref_slice %arg10[%sub3A_206, %dma_wait3A_207] : memref<26x96xi32, #tpu.memory_space<vmem>> -> memref<1x96xi32, #tpu.memory_space<vmem>>
          %dma_wait3A_209 = tpu.memref_squeeze %dma_wait3A_208 : memref<1x96xi32, #tpu.memory_space<vmem>> -> memref<96xi32, #tpu.memory_space<vmem>>
          %dma_wait3A_210 = arith.constant 0 : i32
          %dma_wait3A_211 = arith.constant 0 : i32
          %dma_wait3A_212 = tpu.memref_slice %arg16[%dma_wait3A_210, %dma_wait3A_211] : memref<10000x128xf32, #tpu.memory_space<vmem_shared>> -> memref<10000x128xf32, #tpu.memory_space<vmem_shared>>
          tpu.wait_indirect_dma semaphore(%arg22 : memref<!tpu.dma_semaphore, #tpu.memory_space<semaphore_mem>>) src(%arg15 : memref<96x128xf32, #tpu.memory_space<vmem>>) dst(%dma_wait3A_212 : memref<10000x128xf32, #tpu.memory_space<vmem_shared>>)
        } else {
        }
        %add3A_140 = arith.constant 2 : i32
        %add3A_141 = arith.addi %add3A_123, %add3A_140 : i32
        %dma_start3A_142 = arith.constant 0 : i32
        %dma_start3A_143 = tpu.memref_slice %arg9[%add3A_141, %dma_start3A_142] : memref<26x96xi32, #tpu.memory_space<vmem>> -> memref<1x96xi32, #tpu.memory_space<vmem>>
        %dma_start3A_144 = tpu.memref_squeeze %dma_start3A_143 : memref<1x96xi32, #tpu.memory_space<vmem>> -> memref<96xi32, #tpu.memory_space<vmem>>
        %dma_start3A_145 = arith.constant 0 : i32
        %dma_start3A_146 = arith.constant 0 : i32
        %dma_start3A_147 = tpu.memref_slice %arg2[%dma_start3A_145, %dma_start3A_146] : memref<10000x128xf32, #tpu.memory_space<hbm>> -> memref<10000x128xf32, #tpu.memory_space<hbm>>
        tpu.enqueue_indirect_dma source(%dma_start3A_147 : memref<10000x128xf32, #tpu.memory_space<hbm>>) target(%arg15 : memref<96x128xf32, #tpu.memory_space<vmem>>) offsets(%dma_start3A_144 : memref<96xi32, #tpu.memory_space<vmem>>) semaphore(%arg19 : memref<!tpu.dma_semaphore, #tpu.memory_space<semaphore_mem>>)
        %mul3A_148 = arith.constant 3 : i32
        %mul3A_149 = arith.muli %mul3A_148, %scan3A_119 : i32
        %add3A_150 = arith.constant 1 : i32
        %add3A_151 = arith.addi %mul3A_149, %add3A_150 : i32
        %dma_wait3A_152 = arith.constant 0 : i32
        %dma_wait3A_153 = tpu.memref_slice %arg9[%add3A_151, %dma_wait3A_152] : memref<26x96xi32, #tpu.memory_space<vmem>> -> memref<1x96xi32, #tpu.memory_space<vmem>>
        %dma_wait3A_154 = tpu.memref_squeeze %dma_wait3A_153 : memref<1x96xi32, #tpu.memory_space<vmem>> -> memref<96xi32, #tpu.memory_space<vmem>>
        %dma_wait3A_155 = arith.constant 0 : i32
        %dma_wait3A_156 = arith.constant 0 : i32
        %dma_wait3A_157 = tpu.memref_slice %arg2[%dma_wait3A_155, %dma_wait3A_156] : memref<10000x128xf32, #tpu.memory_space<hbm>> -> memref<10000x128xf32, #tpu.memory_space<hbm>>
        tpu.wait_indirect_dma semaphore(%arg18 : memref<!tpu.dma_semaphore, #tpu.memory_space<semaphore_mem>>) src(%dma_wait3A_157 : memref<10000x128xf32, #tpu.memory_space<hbm>>) dst(%arg14 : memref<96x128xf32, #tpu.memory_space<vmem>>)
        %dma_start3A_158 = arith.constant 0 : i32
        %dma_start3A_159 = tpu.memref_slice %arg10[%add3A_151, %dma_start3A_158] : memref<26x96xi32, #tpu.memory_space<vmem>> -> memref<1x96xi32, #tpu.memory_space<vmem>>
        %dma_start3A_160 = tpu.memref_squeeze %dma_start3A_159 : memref<1x96xi32, #tpu.memory_space<vmem>> -> memref<96xi32, #tpu.memory_space<vmem>>
        %dma_start3A_161 = arith.constant 0 : i32
        %dma_start3A_162 = arith.constant 0 : i32
        %dma_start3A_163 = tpu.memref_slice %arg16[%dma_start3A_161, %dma_start3A_162] : memref<10000x128xf32, #tpu.memory_space<vmem_shared>> -> memref<10000x128xf32, #tpu.memory_space<vmem_shared>>
        tpu.enqueue_indirect_dma source(%arg14 : memref<96x128xf32, #tpu.memory_space<vmem>>) target(%dma_start3A_163 : memref<10000x128xf32, #tpu.memory_space<vmem_shared>>) offsets(%dma_start3A_160 : memref<96xi32, #tpu.memory_space<vmem>>) semaphore(%arg21 : memref<!tpu.dma_semaphore, #tpu.memory_space<semaphore_mem>>) {add = true}
        %ge3A_164 = arith.constant 1 : i32
        %ge3A_165 = arith.cmpi sge, %add3A_151, %ge3A_164 : i32
        %convert_element_type3A_166 = arith.extui %ge3A_165 : i1 to i32
        %cond3A_167 = arith.constant 0 : i32
        %cond3A_168 = arith.cmpi ne, %convert_element_type3A_166, %cond3A_167 : i32
        scf.if %cond3A_168 {
          %sub3A = arith.constant 1 : i32
          %sub3A_206 = arith.subi %add3A_151, %sub3A : i32
          %dma_wait3A_207 = arith.constant 0 : i32
          %dma_wait3A_208 = tpu.memref_slice %arg10[%sub3A_206, %dma_wait3A_207] : memref<26x96xi32, #tpu.memory_space<vmem>> -> memref<1x96xi32, #tpu.memory_space<vmem>>
          %dma_wait3A_209 = tpu.memref_squeeze %dma_wait3A_208 : memref<1x96xi32, #tpu.memory_space<vmem>> -> memref<96xi32, #tpu.memory_space<vmem>>
          %dma_wait3A_210 = arith.constant 0 : i32
          %dma_wait3A_211 = arith.constant 0 : i32
          %dma_wait3A_212 = tpu.memref_slice %arg16[%dma_wait3A_210, %dma_wait3A_211] : memref<10000x128xf32, #tpu.memory_space<vmem_shared>> -> memref<10000x128xf32, #tpu.memory_space<vmem_shared>>
          tpu.wait_indirect_dma semaphore(%arg20 : memref<!tpu.dma_semaphore, #tpu.memory_space<semaphore_mem>>) src(%arg13 : memref<96x128xf32, #tpu.memory_space<vmem>>) dst(%dma_wait3A_212 : memref<10000x128xf32, #tpu.memory_space<vmem_shared>>)
        } else {
        }
        %add3A_169 = arith.constant 2 : i32
        %add3A_170 = arith.addi %add3A_151, %add3A_169 : i32
        %dma_start3A_171 = arith.constant 0 : i32
        %dma_start3A_172 = tpu.memref_slice %arg9[%add3A_170, %dma_start3A_171] : memref<26x96xi32, #tpu.memory_space<vmem>> -> memref<1x96xi32, #tpu.memory_space<vmem>>
        %dma_start3A_173 = tpu.memref_squeeze %dma_start3A_172 : memref<1x96xi32, #tpu.memory_space<vmem>> -> memref<96xi32, #tpu.memory_space<vmem>>
        %dma_start3A_174 = arith.constant 0 : i32
        %dma_start3A_175 = arith.constant 0 : i32
        %dma_start3A_176 = tpu.memref_slice %arg2[%dma_start3A_174, %dma_start3A_175] : memref<10000x128xf32, #tpu.memory_space<hbm>> -> memref<10000x128xf32, #tpu.memory_space<hbm>>
        tpu.enqueue_indirect_dma source(%dma_start3A_176 : memref<10000x128xf32, #tpu.memory_space<hbm>>) target(%arg13 : memref<96x128xf32, #tpu.memory_space<vmem>>) offsets(%dma_start3A_173 : memref<96xi32, #tpu.memory_space<vmem>>) semaphore(%arg17 : memref<!tpu.dma_semaphore, #tpu.memory_space<semaphore_mem>>)
        %mul3A_177 = arith.constant 3 : i32
        %mul3A_178 = arith.muli %mul3A_177, %scan3A_119 : i32
        %add3A_179 = arith.constant 2 : i32
        %add3A_180 = arith.addi %mul3A_178, %add3A_179 : i32
        %dma_wait3A_181 = arith.constant 0 : i32
        %dma_wait3A_182 = tpu.memref_slice %arg9[%add3A_180, %dma_wait3A_181] : memref<26x96xi32, #tpu.memory_space<vmem>> -> memref<1x96xi32, #tpu.memory_space<vmem>>
        %dma_wait3A_183 = tpu.memref_squeeze %dma_wait3A_182 : memref<1x96xi32, #tpu.memory_space<vmem>> -> memref<96xi32, #tpu.memory_space<vmem>>
        %dma_wait3A_184 = arith.constant 0 : i32
        %dma_wait3A_185 = arith.constant 0 : i32
        %dma_wait3A_186 = tpu.memref_slice %arg2[%dma_wait3A_184, %dma_wait3A_185] : memref<10000x128xf32, #tpu.memory_space<hbm>> -> memref<10000x128xf32, #tpu.memory_space<hbm>>
        tpu.wait_indirect_dma semaphore(%arg19 : memref<!tpu.dma_semaphore, #tpu.memory_space<semaphore_mem>>) src(%dma_wait3A_186 : memref<10000x128xf32, #tpu.memory_space<hbm>>) dst(%arg15 : memref<96x128xf32, #tpu.memory_space<vmem>>)
        %dma_start3A_187 = arith.constant 0 : i32
        %dma_start3A_188 = tpu.memref_slice %arg10[%add3A_180, %dma_start3A_187] : memref<26x96xi32, #tpu.memory_space<vmem>> -> memref<1x96xi32, #tpu.memory_space<vmem>>
        %dma_start3A_189 = tpu.memref_squeeze %dma_start3A_188 : memref<1x96xi32, #tpu.memory_space<vmem>> -> memref<96xi32, #tpu.memory_space<vmem>>
        %dma_start3A_190 = arith.constant 0 : i32
        %dma_start3A_191 = arith.constant 0 : i32
        %dma_start3A_192 = tpu.memref_slice %arg16[%dma_start3A_190, %dma_start3A_191] : memref<10000x128xf32, #tpu.memory_space<vmem_shared>> -> memref<10000x128xf32, #tpu.memory_space<vmem_shared>>
        tpu.enqueue_indirect_dma source(%arg15 : memref<96x128xf32, #tpu.memory_space<vmem>>) target(%dma_start3A_192 : memref<10000x128xf32, #tpu.memory_space<vmem_shared>>) offsets(%dma_start3A_189 : memref<96xi32, #tpu.memory_space<vmem>>) semaphore(%arg22 : memref<!tpu.dma_semaphore, #tpu.memory_space<semaphore_mem>>) {add = true}
        %ge3A_193 = arith.constant 1 : i32
        %ge3A_194 = arith.cmpi sge, %add3A_180, %ge3A_193 : i32
        %convert_element_type3A_195 = arith.extui %ge3A_194 : i1 to i32
        %cond3A_196 = arith.constant 0 : i32
        %cond3A_197 = arith.cmpi ne, %convert_element_type3A_195, %cond3A_196 : i32
        scf.if %cond3A_197 {
          %sub3A = arith.constant 1 : i32
          %sub3A_206 = arith.subi %add3A_180, %sub3A : i32
          %dma_wait3A_207 = arith.constant 0 : i32
          %dma_wait3A_208 = tpu.memref_slice %arg10[%sub3A_206, %dma_wait3A_207] : memref<26x96xi32, #tpu.memory_space<vmem>> -> memref<1x96xi32, #tpu.memory_space<vmem>>
          %dma_wait3A_209 = tpu.memref_squeeze %dma_wait3A_208 : memref<1x96xi32, #tpu.memory_space<vmem>> -> memref<96xi32, #tpu.memory_space<vmem>>
          %dma_wait3A_210 = arith.constant 0 : i32
          %dma_wait3A_211 = arith.constant 0 : i32
          %dma_wait3A_212 = tpu.memref_slice %arg16[%dma_wait3A_210, %dma_wait3A_211] : memref<10000x128xf32, #tpu.memory_space<vmem_shared>> -> memref<10000x128xf32, #tpu.memory_space<vmem_shared>>
          tpu.wait_indirect_dma semaphore(%arg21 : memref<!tpu.dma_semaphore, #tpu.memory_space<semaphore_mem>>) src(%arg14 : memref<96x128xf32, #tpu.memory_space<vmem>>) dst(%dma_wait3A_212 : memref<10000x128xf32, #tpu.memory_space<vmem_shared>>)
        } else {
        }
        %add3A_198 = arith.constant 2 : i32
        %add3A_199 = arith.addi %add3A_180, %add3A_198 : i32
        %dma_start3A_200 = arith.constant 0 : i32
        %dma_start3A_201 = tpu.memref_slice %arg9[%add3A_199, %dma_start3A_200] : memref<26x96xi32, #tpu.memory_space<vmem>> -> memref<1x96xi32, #tpu.memory_space<vmem>>
        %dma_start3A_202 = tpu.memref_squeeze %dma_start3A_201 : memref<1x96xi32, #tpu.memory_space<vmem>> -> memref<96xi32, #tpu.memory_space<vmem>>
        %dma_start3A_203 = arith.constant 0 : i32
        %dma_start3A_204 = arith.constant 0 : i32
        %dma_start3A_205 = tpu.memref_slice %arg2[%dma_start3A_203, %dma_start3A_204] : memref<10000x128xf32, #tpu.memory_space<hbm>> -> memref<10000x128xf32, #tpu.memory_space<hbm>>
        tpu.enqueue_indirect_dma source(%dma_start3A_205 : memref<10000x128xf32, #tpu.memory_space<hbm>>) target(%arg14 : memref<96x128xf32, #tpu.memory_space<vmem>>) offsets(%dma_start3A_202 : memref<96xi32, #tpu.memory_space<vmem>>) semaphore(%arg18 : memref<!tpu.dma_semaphore, #tpu.memory_space<semaphore_mem>>)
      }
      %scan3A_69 = arith.constant 8 : i32
      %dma_wait3A_70 = arith.constant 24 : i32
      %dma_wait3A_71 = arith.constant 0 : i32
      %dma_wait3A_72 = tpu.memref_slice %arg9[%dma_wait3A_70, %dma_wait3A_71] : memref<26x96xi32, #tpu.memory_space<vmem>> -> memref<1x96xi32, #tpu.memory_space<vmem>>
      %dma_wait3A_73 = tpu.memref_squeeze %dma_wait3A_72 : memref<1x96xi32, #tpu.memory_space<vmem>> -> memref<96xi32, #tpu.memory_space<vmem>>
      %dma_wait3A_74 = arith.constant 0 : i32
      %dma_wait3A_75 = arith.constant 0 : i32
      %dma_wait3A_76 = tpu.memref_slice %arg2[%dma_wait3A_74, %dma_wait3A_75] : memref<10000x128xf32, #tpu.memory_space<hbm>> -> memref<10000x128xf32, #tpu.memory_space<hbm>>
      tpu.wait_indirect_dma semaphore(%arg17 : memref<!tpu.dma_semaphore, #tpu.memory_space<semaphore_mem>>) src(%dma_wait3A_76 : memref<10000x128xf32, #tpu.memory_space<hbm>>) dst(%arg13 : memref<96x128xf32, #tpu.memory_space<vmem>>)
      %dma_start3A_77 = arith.constant 24 : i32
      %dma_start3A_78 = arith.constant 0 : i32
      %dma_start3A_79 = tpu.memref_slice %arg10[%dma_start3A_77, %dma_start3A_78] : memref<26x96xi32, #tpu.memory_space<vmem>> -> memref<1x96xi32, #tpu.memory_space<vmem>>
      %dma_start3A_80 = tpu.memref_squeeze %dma_start3A_79 : memref<1x96xi32, #tpu.memory_space<vmem>> -> memref<96xi32, #tpu.memory_space<vmem>>
      %dma_start3A_81 = arith.constant 0 : i32
      %dma_start3A_82 = arith.constant 0 : i32
      %dma_start3A_83 = tpu.memref_slice %arg16[%dma_start3A_81, %dma_start3A_82] : memref<10000x128xf32, #tpu.memory_space<vmem_shared>> -> memref<10000x128xf32, #tpu.memory_space<vmem_shared>>
      tpu.enqueue_indirect_dma source(%arg13 : memref<96x128xf32, #tpu.memory_space<vmem>>) target(%dma_start3A_83 : memref<10000x128xf32, #tpu.memory_space<vmem_shared>>) offsets(%dma_start3A_80 : memref<96xi32, #tpu.memory_space<vmem>>) semaphore(%arg20 : memref<!tpu.dma_semaphore, #tpu.memory_space<semaphore_mem>>) {add = true}
      %dma_wait3A_84 = arith.constant 25 : i32
      %dma_wait3A_85 = arith.constant 0 : i32
      %dma_wait3A_86 = tpu.memref_slice %arg9[%dma_wait3A_84, %dma_wait3A_85] : memref<26x96xi32, #tpu.memory_space<vmem>> -> memref<1x96xi32, #tpu.memory_space<vmem>>
      %dma_wait3A_87 = tpu.memref_squeeze %dma_wait3A_86 : memref<1x96xi32, #tpu.memory_space<vmem>> -> memref<96xi32, #tpu.memory_space<vmem>>
      %dma_wait3A_88 = arith.constant 0 : i32
      %dma_wait3A_89 = arith.constant 0 : i32
      %dma_wait3A_90 = tpu.memref_slice %arg2[%dma_wait3A_88, %dma_wait3A_89] : memref<10000x128xf32, #tpu.memory_space<hbm>> -> memref<10000x128xf32, #tpu.memory_space<hbm>>
      tpu.wait_indirect_dma semaphore(%arg18 : memref<!tpu.dma_semaphore, #tpu.memory_space<semaphore_mem>>) src(%dma_wait3A_90 : memref<10000x128xf32, #tpu.memory_space<hbm>>) dst(%arg14 : memref<96x128xf32, #tpu.memory_space<vmem>>)
      %dma_start3A_91 = arith.constant 25 : i32
      %dma_start3A_92 = arith.constant 0 : i32
      %dma_start3A_93 = tpu.memref_slice %arg10[%dma_start3A_91, %dma_start3A_92] : memref<26x96xi32, #tpu.memory_space<vmem>> -> memref<1x96xi32, #tpu.memory_space<vmem>>
      %dma_start3A_94 = tpu.memref_squeeze %dma_start3A_93 : memref<1x96xi32, #tpu.memory_space<vmem>> -> memref<96xi32, #tpu.memory_space<vmem>>
      %dma_start3A_95 = arith.constant 0 : i32
      %dma_start3A_96 = arith.constant 0 : i32
      %dma_start3A_97 = tpu.memref_slice %arg16[%dma_start3A_95, %dma_start3A_96] : memref<10000x128xf32, #tpu.memory_space<vmem_shared>> -> memref<10000x128xf32, #tpu.memory_space<vmem_shared>>
      tpu.enqueue_indirect_dma source(%arg14 : memref<96x128xf32, #tpu.memory_space<vmem>>) target(%dma_start3A_97 : memref<10000x128xf32, #tpu.memory_space<vmem_shared>>) offsets(%dma_start3A_94 : memref<96xi32, #tpu.memory_space<vmem>>) semaphore(%arg21 : memref<!tpu.dma_semaphore, #tpu.memory_space<semaphore_mem>>) {add = true}
      %dma_wait3A_98 = arith.constant 23 : i32
      %dma_wait3A_99 = arith.constant 0 : i32
      %dma_wait3A_100 = tpu.memref_slice %arg10[%dma_wait3A_98, %dma_wait3A_99] : memref<26x96xi32, #tpu.memory_space<vmem>> -> memref<1x96xi32, #tpu.memory_space<vmem>>
      %dma_wait3A_101 = tpu.memref_squeeze %dma_wait3A_100 : memref<1x96xi32, #tpu.memory_space<vmem>> -> memref<96xi32, #tpu.memory_space<vmem>>
      %dma_wait3A_102 = arith.constant 0 : i32
      %dma_wait3A_103 = arith.constant 0 : i32
      %dma_wait3A_104 = tpu.memref_slice %arg16[%dma_wait3A_102, %dma_wait3A_103] : memref<10000x128xf32, #tpu.memory_space<vmem_shared>> -> memref<10000x128xf32, #tpu.memory_space<vmem_shared>>
      tpu.wait_indirect_dma semaphore(%arg22 : memref<!tpu.dma_semaphore, #tpu.memory_space<semaphore_mem>>) src(%arg15 : memref<96x128xf32, #tpu.memory_space<vmem>>) dst(%dma_wait3A_104 : memref<10000x128xf32, #tpu.memory_space<vmem_shared>>)
      %dma_wait3A_105 = arith.constant 24 : i32
      %dma_wait3A_106 = arith.constant 0 : i32
      %dma_wait3A_107 = tpu.memref_slice %arg10[%dma_wait3A_105, %dma_wait3A_106] : memref<26x96xi32, #tpu.memory_space<vmem>> -> memref<1x96xi32, #tpu.memory_space<vmem>>
      %dma_wait3A_108 = tpu.memref_squeeze %dma_wait3A_107 : memref<1x96xi32, #tpu.memory_space<vmem>> -> memref<96xi32, #tpu.memory_space<vmem>>
      %dma_wait3A_109 = arith.constant 0 : i32
      %dma_wait3A_110 = arith.constant 0 : i32
      %dma_wait3A_111 = tpu.memref_slice %arg16[%dma_wait3A_109, %dma_wait3A_110] : memref<10000x128xf32, #tpu.memory_space<vmem_shared>> -> memref<10000x128xf32, #tpu.memory_space<vmem_shared>>
      tpu.wait_indirect_dma semaphore(%arg20 : memref<!tpu.dma_semaphore, #tpu.memory_space<semaphore_mem>>) src(%arg13 : memref<96x128xf32, #tpu.memory_space<vmem>>) dst(%dma_wait3A_111 : memref<10000x128xf32, #tpu.memory_space<vmem_shared>>)
      %dma_wait3A_112 = arith.constant 25 : i32
      %dma_wait3A_113 = arith.constant 0 : i32
      %dma_wait3A_114 = tpu.memref_slice %arg10[%dma_wait3A_112, %dma_wait3A_113] : memref<26x96xi32, #tpu.memory_space<vmem>> -> memref<1x96xi32, #tpu.memory_space<vmem>>
      %dma_wait3A_115 = tpu.memref_squeeze %dma_wait3A_114 : memref<1x96xi32, #tpu.memory_space<vmem>> -> memref<96xi32, #tpu.memory_space<vmem>>
      %dma_wait3A_116 = arith.constant 0 : i32
      %dma_wait3A_117 = arith.constant 0 : i32
      %dma_wait3A_118 = tpu.memref_slice %arg16[%dma_wait3A_116, %dma_wait3A_117] : memref<10000x128xf32, #tpu.memory_space<vmem_shared>> -> memref<10000x128xf32, #tpu.memory_space<vmem_shared>>
      tpu.wait_indirect_dma semaphore(%arg21 : memref<!tpu.dma_semaphore, #tpu.memory_space<semaphore_mem>>) src(%arg14 : memref<96x128xf32, #tpu.memory_space<vmem>>) dst(%dma_wait3A_118 : memref<10000x128xf32, #tpu.memory_space<vmem_shared>>)
    }
    %scan3A_14 = arith.constant 4 : i32
    %dma_start3A_15 = arith.constant 0 : i32
    %dma_start3A_16 = arith.constant 0 : i32
    %dma_start3A_17 = tpu.memref_slice %arg13[%dma_start3A_15, %dma_start3A_16] : memref<96x128xf32, #tpu.memory_space<vmem>> -> memref<16x128xf32, #tpu.memory_space<vmem>>
    %dma_start3A_18 = arith.constant 0 : i32
    %dma_start3A_19 = arith.constant 0 : i32
    %dma_start3A_20 = tpu.memref_slice %arg2[%dma_start3A_18, %dma_start3A_19] : memref<10000x128xf32, #tpu.memory_space<hbm>> -> memref<10000x128xf32, #tpu.memory_space<hbm>>
    tpu.enqueue_indirect_dma source(%dma_start3A_20 : memref<10000x128xf32, #tpu.memory_space<hbm>>) target(%dma_start3A_17 : memref<16x128xf32, #tpu.memory_space<vmem>>) offsets(%arg11 : memref<16xi32, #tpu.memory_space<vmem>>) semaphore(%arg17 : memref<!tpu.dma_semaphore, #tpu.memory_space<semaphore_mem>>)
    %dma_wait3A = arith.constant 0 : i32
    %dma_wait3A_21 = arith.constant 0 : i32
    %dma_wait3A_22 = tpu.memref_slice %arg13[%dma_wait3A, %dma_wait3A_21] : memref<96x128xf32, #tpu.memory_space<vmem>> -> memref<16x128xf32, #tpu.memory_space<vmem>>
    %dma_wait3A_23 = arith.constant 0 : i32
    %dma_wait3A_24 = arith.constant 0 : i32
    %dma_wait3A_25 = tpu.memref_slice %arg2[%dma_wait3A_23, %dma_wait3A_24] : memref<10000x128xf32, #tpu.memory_space<hbm>> -> memref<10000x128xf32, #tpu.memory_space<hbm>>
    tpu.wait_indirect_dma semaphore(%arg17 : memref<!tpu.dma_semaphore, #tpu.memory_space<semaphore_mem>>) src(%dma_wait3A_25 : memref<10000x128xf32, #tpu.memory_space<hbm>>) dst(%dma_wait3A_22 : memref<16x128xf32, #tpu.memory_space<vmem>>)
    "tpu.region"() ({
      %run_scoped3A = tpu.sem_alloc : memref<!tpu.dma_semaphore, #tpu.memory_space<semaphore_mem>>
      %dma_start3A_38 = arith.constant 0 : i32
      %dma_start3A_39 = arith.constant 0 : i32
      %dma_start3A_40 = tpu.memref_slice %arg13[%dma_start3A_38, %dma_start3A_39] : memref<96x128xf32, #tpu.memory_space<vmem>> -> memref<16x128xf32, #tpu.memory_space<vmem>>
      %dma_start3A_41 = arith.constant 0 : i32
      %dma_start3A_42 = arith.constant 0 : i32
      %dma_start3A_43 = tpu.memref_slice %arg16[%dma_start3A_41, %dma_start3A_42] : memref<10000x128xf32, #tpu.memory_space<vmem_shared>> -> memref<10000x128xf32, #tpu.memory_space<vmem_shared>>
      tpu.enqueue_indirect_dma source(%dma_start3A_40 : memref<16x128xf32, #tpu.memory_space<vmem>>) target(%dma_start3A_43 : memref<10000x128xf32, #tpu.memory_space<vmem_shared>>) offsets(%arg12 : memref<16xi32, #tpu.memory_space<vmem>>) semaphore(%run_scoped3A : memref<!tpu.dma_semaphore, #tpu.memory_space<semaphore_mem>>) {add = true}
      %dma_wait3A_44 = arith.constant 0 : i32
      %dma_wait3A_45 = arith.constant 0 : i32
      %dma_wait3A_46 = tpu.memref_slice %arg13[%dma_wait3A_44, %dma_wait3A_45] : memref<96x128xf32, #tpu.memory_space<vmem>> -> memref<16x128xf32, #tpu.memory_space<vmem>>
      %dma_wait3A_47 = arith.constant 0 : i32
      %dma_wait3A_48 = arith.constant 0 : i32
      %dma_wait3A_49 = tpu.memref_slice %arg16[%dma_wait3A_47, %dma_wait3A_48] : memref<10000x128xf32, #tpu.memory_space<vmem_shared>> -> memref<10000x128xf32, #tpu.memory_space<vmem_shared>>
      tpu.wait_indirect_dma semaphore(%run_scoped3A : memref<!tpu.dma_semaphore, #tpu.memory_space<semaphore_mem>>) src(%dma_wait3A_46 : memref<16x128xf32, #tpu.memory_space<vmem>>) dst(%dma_wait3A_49 : memref<10000x128xf32, #tpu.memory_space<vmem_shared>>)
      tpu.yield
    }) : () -> ()
    %barrier3A = arith.constant 0 : index
    tpu.barrier barrier_id(%barrier3A)
    %mul3A_26 = arith.constant 624 : i32
    %mul3A_27 = arith.muli %arg1, %mul3A_26 : i32
    %mul3A_28 = arith.constant 10000 : i32
    %mul3A_29 = arith.muli %arg0, %mul3A_28 : i32
    %mul3A_30 = arith.constant 624 : i32
    %mul3A_31 = arith.muli %arg1, %mul3A_30 : i32
    %add3A_32 = arith.addi %mul3A_29, %mul3A_31 : i32
    "tpu.region"() ({
      %run_scoped3A = tpu.sem_alloc : memref<!tpu.dma_semaphore, #tpu.memory_space<semaphore_mem>>
      %dma_start3A_38 = arith.constant 0 : i32
      %dma_start3A_39 = tpu.memref_slice %arg8[%add3A_32, %dma_start3A_38] : memref<20000x128xf32, #tpu.memory_space<hbm>> -> memref<624x128xf32, #tpu.memory_space<hbm>>
      %dma_start3A_40 = arith.constant 0 : i32
      %dma_start3A_41 = tpu.memref_slice %arg16[%mul3A_27, %dma_start3A_40] : memref<10000x128xf32, #tpu.memory_space<vmem_shared>> -> memref<624x128xf32, #tpu.memory_space<vmem_shared>>
      tpu.enqueue_dma source(%dma_start3A_41 : memref<624x128xf32, #tpu.memory_space<vmem_shared>>) target(%dma_start3A_39 : memref<624x128xf32, #tpu.memory_space<hbm>>) target_semaphore(%run_scoped3A : memref<!tpu.dma_semaphore, #tpu.memory_space<semaphore_mem>>)
      %dma_wait3A_42 = arith.constant 0 : i32
      %dma_wait3A_43 = tpu.memref_slice %arg8[%add3A_32, %dma_wait3A_42] : memref<20000x128xf32, #tpu.memory_space<hbm>> -> memref<624x128xf32, #tpu.memory_space<hbm>>
      %dma_wait3A_44 = arith.constant 0 : i32
      %dma_wait3A_45 = tpu.memref_slice %arg16[%mul3A_27, %dma_wait3A_44] : memref<10000x128xf32, #tpu.memory_space<vmem_shared>> -> memref<624x128xf32, #tpu.memory_space<vmem_shared>>
      tpu.wait_dma2 semaphore(%run_scoped3A : memref<!tpu.dma_semaphore, #tpu.memory_space<semaphore_mem>>) src(%dma_wait3A_45 : memref<624x128xf32, #tpu.memory_space<vmem_shared>>) dst(%dma_wait3A_43 : memref<624x128xf32, #tpu.memory_space<hbm>>)
      tpu.yield
    }) : () -> ()
    %eq3A_33 = arith.constant 15 : i32
    %eq3A_34 = arith.cmpi eq, %arg1, %eq3A_33 : i32
    %convert_element_type3A_35 = arith.extui %eq3A_34 : i1 to i32
    %cond3A_36 = arith.constant 0 : i32
    %cond3A_37 = arith.cmpi ne, %convert_element_type3A_35, %cond3A_36 : i32
    scf.if %cond3A_37 {
      %mul3A_38 = arith.constant 10000 : i32
      %mul3A_39 = arith.muli %arg0, %mul3A_38 : i32
      %add3A_40 = arith.constant 9984 : i32
      %add3A_41 = arith.addi %mul3A_39, %add3A_40 : i32
      "tpu.region"() ({
        %run_scoped3A = tpu.sem_alloc : memref<!tpu.dma_semaphore, #tpu.memory_space<semaphore_mem>>
        %dma_start3A_42 = arith.constant 0 : i32
        %dma_start3A_43 = tpu.memref_slice %arg8[%add3A_41, %dma_start3A_42] : memref<20000x128xf32, #tpu.memory_space<hbm>> -> memref<16x128xf32, #tpu.memory_space<hbm>>
        %dma_start3A_44 = arith.constant 9984 : i32
        %dma_start3A_45 = arith.constant 0 : i32
        %dma_start3A_46 = tpu.memref_slice %arg16[%dma_start3A_44, %dma_start3A_45] : memref<10000x128xf32, #tpu.memory_space<vmem_shared>> -> memref<16x128xf32, #tpu.memory_space<vmem_shared>>
        tpu.enqueue_dma source(%dma_start3A_46 : memref<16x128xf32, #tpu.memory_space<vmem_shared>>) target(%dma_start3A_43 : memref<16x128xf32, #tpu.memory_space<hbm>>) target_semaphore(%run_scoped3A : memref<!tpu.dma_semaphore, #tpu.memory_space<semaphore_mem>>)
        %dma_wait3A_47 = arith.constant 0 : i32
        %dma_wait3A_48 = tpu.memref_slice %arg8[%add3A_41, %dma_wait3A_47] : memref<20000x128xf32, #tpu.memory_space<hbm>> -> memref<16x128xf32, #tpu.memory_space<hbm>>
        %dma_wait3A_49 = arith.constant 9984 : i32
        %dma_wait3A_50 = arith.constant 0 : i32
        %dma_wait3A_51 = tpu.memref_slice %arg16[%dma_wait3A_49, %dma_wait3A_50] : memref<10000x128xf32, #tpu.memory_space<vmem_shared>> -> memref<16x128xf32, #tpu.memory_space<vmem_shared>>
        tpu.wait_dma2 semaphore(%run_scoped3A : memref<!tpu.dma_semaphore, #tpu.memory_space<semaphore_mem>>) src(%dma_wait3A_51 : memref<16x128xf32, #tpu.memory_space<vmem_shared>>) dst(%dma_wait3A_48 : memref<16x128xf32, #tpu.memory_space<hbm>>)
        tpu.yield
      }) : () -> ()
    } else {
    }
    return
  }
}

module attributes {stable_mosaic.version = 14 : i64} {
  func.func @_tc_linear_kernel(%arg0: i32, %arg1: memref<10000x128xf32, #tpu.memory_space<vmem>>, %arg2: memref<10000x128xf32, #tpu.memory_space<vmem>>, %arg3: memref<128x128xf32, #tpu.memory_space<vmem>>, %arg4: memref<1x128xf32, #tpu.memory_space<vmem>>, %arg5: memref<10000x128xf32, #tpu.memory_space<vmem>>) attributes {dimension_semantics = [#tpu.dimension_semantics<arbitrary>], iteration_bounds = array<i64: 1>, scalar_prefetch = 0 : i64, scratch_operands = 0 : i64, tpu.core_type = #tpu.core_type<tc>, window_params = [{transform_indices = @transform_0, window_bounds = array<i64: 10000, 128>}, {transform_indices = @transform_1, window_bounds = array<i64: 10000, 128>}, {pipeline_mode = #tpu.pipeline_mode<synchronous>, transform_indices = @transform_2, window_bounds = array<i64: 128, 128>}, {pipeline_mode = #tpu.pipeline_mode<synchronous>, transform_indices = @transform_3, window_bounds = array<i64: 1, 128>}, {pipeline_mode = #tpu.pipeline_mode<synchronous>, transform_indices = @transform_4, window_bounds = array<i64: 10000, 128>}]} {
    %get3A = arith.constant 0 : index
    %get3A_0 = arith.constant 0 : index
    %get3A_1 = vector.load %arg1[%get3A, %get3A_0] : memref<10000x128xf32, #tpu.memory_space<vmem>>, vector<10000x128xf32>
    %get3A_2 = arith.constant 0 : index
    %get3A_3 = arith.constant 0 : index
    %get3A_4 = vector.load %arg2[%get3A_2, %get3A_3] : memref<10000x128xf32, #tpu.memory_space<vmem>>, vector<10000x128xf32>
    %add3A = arith.addf %get3A_1, %get3A_4 : vector<10000x128xf32>
    %get3A_5 = arith.constant 0 : index
    %get3A_6 = arith.constant 0 : index
    %get3A_7 = vector.load %arg3[%get3A_5, %get3A_6] : memref<128x128xf32, #tpu.memory_space<vmem>>, vector<128x128xf32>
    %dot_general3A = arith.constant dense<0.000000e+00> : vector<10000x128xf32>
    %dot_general3A_8 = tpu.matmul %add3A, %get3A_7, %dot_general3A {dimension_numbers = #tpu.dot_dimension_numbers<[1], [1], [0], [0], [0, 0, 1, 0], [], []>, transpose_lhs_hint = false} : vector<10000x128xf32>, vector<128x128xf32>, vector<10000x128xf32> -> vector<10000x128xf32>
    %get3A_9 = arith.constant 0 : index
    %get3A_10 = arith.constant 0 : index
    %get3A_11 = vector.load %arg4[%get3A_9, %get3A_10] : memref<1x128xf32, #tpu.memory_space<vmem>>, vector<1x128xf32>
    %add3A_12 = vector.broadcast %get3A_11 : vector<1x128xf32> to vector<10000x128xf32>
    %add3A_13 = arith.addf %dot_general3A_8, %add3A_12 : vector<10000x128xf32>
    %swap3A = arith.constant 0 : index
    %swap3A_14 = arith.constant 0 : index
    %swap3A_15 = vector.load %arg5[%swap3A, %swap3A_14] : memref<10000x128xf32, #tpu.memory_space<vmem>>, vector<10000x128xf32>
    tpu.vector_store %arg5[%swap3A, %swap3A_14], %add3A_13 {strides = array<i32>} : memref<10000x128xf32, #tpu.memory_space<vmem>>, vector<10000x128xf32>,
    return
  }
  func.func @transform_0(%arg0: i32) -> (i32, i32) {
    %c0_i32 = arith.constant 0 : i32
    %c0_i32_0 = arith.constant 0 : i32
    %c0_i32_1 = arith.constant 0 : i32
    return %c0_i32, %c0_i32_0 : i32, i32
  }
  func.func @transform_1(%arg0: i32) -> (i32, i32) {
    %c1_i32 = arith.constant 1 : i32
    %c0_i32 = arith.constant 0 : i32
    %c0_i32_0 = arith.constant 0 : i32
    return %c1_i32, %c0_i32 : i32, i32
  }
  func.func @transform_2(%arg0: i32) -> (i32, i32) {
    %c0_i32 = arith.constant 0 : i32
    %c0_i32_0 = arith.constant 0 : i32
    %c0_i32_1 = arith.constant 0 : i32
    return %c0_i32, %c0_i32_0 : i32, i32
  }
  func.func @transform_3(%arg0: i32) -> (i32, i32) {
    %c0_i32 = arith.constant 0 : i32
    %c0_i32_0 = arith.constant 0 : i32
    %c0_i32_1 = arith.constant 0 : i32
    return %c0_i32, %c0_i32_0 : i32, i32
  }
  func.func @transform_4(%arg0: i32) -> (i32, i32) {
    %c0_i32 = arith.constant 0 : i32
    %c0_i32_0 = arith.constant 0 : i32
    %c0_i32_1 = arith.constant 0 : i32
    return %c0_i32, %c0_i32_0 : i32, i32
  }
}

</mosaic_0001>

<sc_bundles>
// kernel: kernel.4.cloned.1.call-start
scs
__scs_entry_jumppad:
0x0: {  	(pc) =	sbr.rel $0x88, $3  }
0x1: {  	(tag) =	ssettag $0x0;
	lr =	simm.s32 $0x1  }
0x2: {  	[smem:$0x3F9D] =	sst lr;
	_ =	strace $0xD0000000  }
0x3: {  	_ = 	snop  }
0x4: {  	_ = 	snop  }
0x5: {  	_ = 	snop  }
0x6: {  	_ = 	snop  }
0x7: {  	_ = 	snop  }
__scs_overlays_trampoline_lowered:
0x8: {  	[smem:$0x3FAC] =	sst s0  }
0x9: {  	[smem:$0x3FAD] =	sst s1  }
0xa: {  	[smem:$0x3FAE] =	sst s2  }
0xb: {  	[smem:$0x3FAF] =	sst s3  }
0xc: {  	[smem:$0x3FB0] =	sst s4  }
0xd: {  	[smem:$0x3FB1] =	sst s5  }
0xe: {  	[smem:$0x3FB2] =	sst s6  }
0xf: {  	[smem:$0x3FB3] =	sst s7  }
0x10: {  	[smem:$0x3FB4] =	sst s8  }
0x11: {  	[smem:$0x3FB5] =	sst s9;
	s0 =	simm.s32 @!p0 $0x0  }
0x12: {  	s1 =	sld [smem:$0x3F9B];
	s0 =	simm.s32 @p0 $0x1  }
0x13: {  	[smem:$0x3FB6] =	sst s0;
	s0 =	simm.s32 @!p1 $0x0  }
0x14: {  	s2 =	sld [smem:$0x3F9A];
	s0 =	simm.s32 @p1 $0x1  }
0x15: {  	[smem:$0x3FB7] =	sst s0;
	s0 =	simm.s32 @!p2 $0x0  }
0x16: {  	s3 =	sld [smem:$0x3FDB];
	s0 =	simm.s32 @p2 $0x1  }
0x17: {  	s4 =	simm.s32 $0x1BF5;
	[smem:$0x3FB9] =	sst s0  }
0x18: {  	s0 =	sld [smem:$0x3F9C];
	_ =	swait.ge [sflag:s4], $0x0  }
0x19: {  	s7 =	sld [smem:$0x3F9D]  }
0x1a: {  	s8 =	sadd.s32 $0xFFFFE003, lr  }
0x1b: {  	s9 =	sadd.s32 $0xFFFFFEF7, lr;
	s5 =	simm.s32 $0xFFFFFFFF;
	p2 =	slt.u32 s8, $0xFFFFF086  }
0x1c: {  	p1 =	slt.u32 s9, $0xF7A;
	s5 =	simm.s32 @!p2 $0x0  }
0x1d: {  	s5 =	simm.s32 @p1 $0x1;
	p0 =	seq.s32 s7, s2  }
0x1e: {  	s7 =	smul.u32 @!p0 $0xF7A, s2;
	p2 =	seq.s32 @!p0 s5, $0x0  }
0x1f: {  	s9 =	smul.u32 $0xF7A, s1;
	s8 =	simm.s32 @!p0 $0x1BF5;
	p2 =	por !p2, p0  }
0x20: {  	[sflag:s8] =	ssyncset.s32 @!p0 $0xFFFFF086;
	s6 =	sadd.s32 @!p0 s3, s7;
	s7 =	simm.s32 @!p0 $0x108  }
0x21: {  	s3 =	sadd.s32 s3, s9;
	s6 =	sadd.s32 @!p0 $0x88, s6;
	s7 =	simm.s32 @p2 $0x1082  }
0x22: {  	[simem:s7], [sflag:s8] =	dma.local @!p0 [hbm:s6], $0xF7A  }
0x23: {  	s9 =	sor.u32 $0xD0000000, s2;
	s6 =	simm.s32 $0x108;
	_ =	swait.ge @!p0 [sflag:s8], $0x0  }
0x24: {  	s3 =	sadd.s32 $0x88, s3;
	s6 =	simm.s32 @!p1 $0x1082;
	[sflag:s4] =	ssyncset.s32 $0xFFFFF086  }
0x25: {  	[simem:s6], [sflag:s4] =	dma.local [hbm:s3], $0xF7A  }
0x26: {  	[smem:$0x3F9D] =	sst s1;
	(tag) =	ssettag s2;
	_ =	strace s9  }
0x27: {  	s1 =	sld [smem:$0x3FAD]  }
0x28: {  	s2 =	sld [smem:$0x3FAE]  }
0x29: {  	s4 =	sld [smem:$0x3FB0]  }
0x2a: {  	p0 =	seq.s32 s5, $0x0;
	s5 =	sld [smem:$0x3FB1]  }
0x2b: {  	s6 =	sld [smem:$0x3FB2]  }
0x2c: {  	s7 =	sld [smem:$0x3FB3]  }
0x2d: {  	s3 =	simm.s32 $0x108;
	s8 =	sld [smem:$0x3FB4]  }
0x2e: {  	s3 =	simm.s32 @!p0 $0x1082;
	s9 =	sld [smem:$0x3FB5]  }
0x2f: {  	lr =	sadd.s32 s0, s3;
	s0 =	sld [smem:$0x3FAC]  }
0x30: {  	s3 =	sld [smem:$0x3FAF]  }
0x31: {  	[smem:$0x3FB8] =	sst s10  }
0x32: {  	s10 =	sld [smem:$0x3FB6];
	_ =	sdelay $0x3  }
0x33: {  	p0 =	seq.s32 s10, $0x1;
	s10 =	sld [smem:$0x3FB8];
	_ =	sdelay $0x3  }
0x34: {  	[smem:$0x3FB8] =	sst s10  }
0x35: {  	s10 =	sld [smem:$0x3FB7];
	_ =	sdelay $0x3  }
0x36: {  	p1 =	seq.s32 s10, $0x1;
	s10 =	sld [smem:$0x3FB8];
	_ =	sdelay $0x3  }
0x37: {  	[smem:$0x3FB8] =	sst s10  }
0x38: {  	s10 =	sld [smem:$0x3FB9]  }
0x39: {  	_ = 	snop;
	(pc) =	sbr.ind lr, $3  }
0x3a: {  	_ = 	snop  }
0x3b: {  	_ = 	snop  }
0x3c: {  	p2 =	seq.s32 s10, $0x1;
	s10 =	sld [smem:$0x3FB8]  }
0x3d: {  	_ =	shalt  }
0x3e: {  	_ =	shalt  }
0x3f: {  	_ =	shalt  }
0x40: {  	_ =	shalt  }
0x41: {  	_ =	shalt  }
0x42: {  	_ =	shalt  }
0x43: {  	_ =	shalt  }
0x44: {  	_ =	shalt  }
0x45: {  	_ =	shalt  }
0x46: {  	_ =	shalt  }
0x47: {  	_ =	shalt  }
0x48: {  	_ =	shalt  }
0x49: {  	_ =	shalt  }
0x4a: {  	_ =	shalt  }
0x4b: {  	_ =	shalt  }
0x4c: {  	_ =	shalt  }
0x4d: {  	_ =	shalt  }
0x4e: {  	_ =	shalt  }
0x4f: {  	_ =	shalt  }
0x50: {  	_ =	shalt  }
0x51: {  	_ =	shalt  }
0x52: {  	_ =	shalt  }
0x53: {  	_ =	shalt  }
0x54: {  	_ =	shalt  }
0x55: {  	_ =	shalt  }
0x56: {  	_ =	shalt  }
0x57: {  	_ =	shalt  }
0x58: {  	_ =	shalt  }
0x59: {  	_ =	shalt  }
0x5a: {  	_ =	shalt  }
0x5b: {  	_ =	shalt  }
0x5c: {  	_ =	shalt  }
0x5d: {  	_ =	shalt  }
0x5e: {  	_ =	shalt  }
0x5f: {  	_ =	shalt  }
0x60: {  	_ =	shalt  }
0x61: {  	_ =	shalt  }
0x62: {  	_ =	shalt  }
0x63: {  	_ =	shalt  }
0x64: {  	_ =	shalt  }
0x65: {  	_ =	shalt  }
0x66: {  	_ =	shalt  }
0x67: {  	_ =	shalt  }
0x68: {  	_ =	shalt  }
0x69: {  	_ =	shalt  }
0x6a: {  	_ =	shalt  }
0x6b: {  	_ =	shalt  }
0x6c: {  	_ =	shalt  }
0x6d: {  	_ =	shalt  }
0x6e: {  	_ =	shalt  }
0x6f: {  	_ =	shalt  }
0x70: {  	_ =	shalt  }
0x71: {  	_ =	shalt  }
0x72: {  	_ =	shalt  }
0x73: {  	_ =	shalt  }
0x74: {  	_ =	shalt  }
0x75: {  	_ =	shalt  }
0x76: {  	_ =	shalt  }
0x77: {  	_ =	shalt  }
0x78: {  	_ =	shalt  }
0x79: {  	_ =	shalt  }
0x7a: {  	_ =	shalt  }
0x7b: {  	_ =	shalt  }
0x7c: {  	_ =	shalt  }
0x7d: {  	_ =	shalt  }
0x7e: {  	_ =	shalt  }
0x7f: {  	_ =	shalt  }
0x80: {  	_ =	shalt  }
0x81: {  	_ =	shalt  }
0x82: {  	_ =	shalt  }
0x83: {  	_ =	shalt  }
0x84: {  	_ =	shalt  }
0x85: {  	_ =	shalt  }
0x86: {  	_ =	shalt  }
0x87: {  	_ =	shalt  }
.Lfunc_end0:
.L_simem_size_0:
called_computation_lowered:
.L_overlay_start_0:
0x88: {  	s2 =	sld [smem:$0x3FD9]  }
0x89: {  	s3 =	sld [smem:$0x3FFE];
	_ =	sdelay $0x1  }
0x8a: {  	s1 =	srdreg.scid  }
0x8b: {  	s0 =	sand.u32 $0x1, s1  }
0x8c: {  	s17 =	sshll.u32 s0, $0xA;
	s2 =	sadd.s32 s3, s2  }
0x8d: {  	s2 =	sadd.s32 s2, s17  }
0x8e: {  	[smem:$0x3FC4] =	sst s2  }
0x8f: {  	_ = 	snop  }
0x90: {  	s2 =	sld [smem:$0x3FC9]  }
0x91: {  	s18 =	sld [smem:$0x3FD0];
	(tm) =	ssettm $0x1  }
0x92: {  	s4 =	sld [smem:$0x3FFB];
	_ =	sdelay $0x3  }
0x93: {  	_ =	strace s4  }
0x94: {  	s4 =	sld [smem:$0x3FFC];
	_ =	sdelay $0x3  }
0x95: {  	_ =	strace s4  }
0x96: {  	s4 =	sld [smem:$0x3FFD];
	_ =	sdelay $0x3  }
0x97: {  	_ =	strace s4  }
0x98: {  	_ =	strace $0x8FFFFFFF  }
0x99: {  	s19 =	sld [smem:$0x3FDB];
	_ =	sdelay $0x1  }
0x9a: {  	s5 =	simm.s32 $_scs_section_size  }
0x9b: {  	s6 =	simm.s32 $_size__tile_overlayer_lowered;
	s7 =	simm.s32 $_tile_overlayer_lowered  }
0x9c: {  	s22 =	simm.s32 $0x1BFF;
	s21 =	sshll.u32 s7, $0x1;
	s4 =	sadd.s32 s5, s19  }
0x9d: {  	s8 =	simm.s32 $0x0;
	s20 =	sshll.u32 s6, $0x1;
	s6 =	sadd.s32 s21, s4  }
0x9e: {  	[timem:s8], [sflag:s22] =	dma.local [hbm:s6], s20  }
0x9f: {  	_ =	swait.ge [sflag:s22], s20  }
0xa0: {  	s5 =	ssub.s32 $0x0, s20;
	[sflag:s22] =	ssyncset.done $0x0  }
0xa1: {  	[sflag:s22] =	ssyncadd.s32 s5;
	_ =	sdelay $0x1  }
0xa2: {  	s23 =	simm.s32 $0x1B8B  }
0xa3: {  	_ =	swait.ge [sflag:s23], $0x1  }
0xa4: {  	[sflag:s23] =	ssyncset.done $0x0  }
0xa5: {  	s25 =	simm.s32 $0x1B8E;
	s24 =	sld [smem:$0x3FFE];
	[sflag:s23] =	ssyncadd.s32 $0xFFFFFFFF  }
0xa6: {  	s26 =	simm.s32 $execute0_lowered;
	[smem:$0x3FD2] =	sst s25  }
0xa7: {  	s6 =	sshll.u32 s26, $0x1;
	_ =	strace $0x80000046;
	[dreg:$0x1] =	wrdreg $0xFFFFFFFF  }
0xa8: {  	s28 =	simm.s32 $_size_execute0_lowered;
	s4 =	sadd.s32 s4, s6;
	[dreg:$0x0] =	wrdreg $0x0  }
0xa9: {  	s6 =	sshll.u32 s28, $0x1;
	[dreg:$0x2] =	wrdreg s4  }
0xaa: {  	[dreg:$0x3] =	wrdreg s6  }
0xab: {  	[dreg:$0x4] =	wrdreg $0xC0  }
0xac: {  	_ =	task [dreg:s8], $0x5FFFF  }
0xad: {  	[dreg:$0x1] =	wrdreg $0xFFFFFFFF  }
0xae: {  	[dreg:$0x0] =	wrdreg $0x60  }
0xaf: {  	[dreg:$0x2] =	wrdreg s2  }
0xb0: {  	[dreg:$0x3] =	wrdreg s18  }
0xb1: {  	[dreg:$0x4] =	wrdreg s24  }
0xb2: {  	[dreg:$0x5] =	wrdreg $0xB1000  }
0xb3: {  	[dreg:$0x6] =	wrdreg $0x9  }
0xb4: {  	_ =	task.clear_ibuf [dreg:s8], $0x7FFFF;
	_ =	strace $0x90000046  }
0xb5: {  	s29 =	simm.s32 $0x9;
	_ =	strace $0x80000048  }
0xb6: {  	_ =	swait.ge [sflag:s29], $0x1  }
0xb7: {  	[sflag:s29] =	ssyncadd.s32 $0xFFFFFFFF  }
0xb8: {  	_ =	strace $0x90000048  }
0xb9: {  	_ =	sfence  }
0xba: {  	s30 =	sld [smem:$0x0];
	_ =	sdelay $0x2  }
0xbb: {  	s31 =	sshll.u32 s1, $0xD;
	s1 =	sshrl.u32 s1, $0x2  }
0xbc: {  	s3 =	sand.u32 $0x4000, s31;
	s1 =	sadd.s32 s1, s30  }
0xbd: {  	s0 =	sor.u32 s3, s0;
	s1 =	sshll.u32 s1, $0x11  }
0xbe: {  	s0 =	sor.u32 s1, s0  }
0xbf: {  	s0 =	sadd.s32 $0x8F2B, s0  }
0xc0: {  	[sflag:s0] =	ssyncadd.remote.s32 $0x1  }
0xc1: {  	_ =	sfence.sel $0xFFFF  }
0xc2: {  	[dreg:$0x0] =	wrdreg $0xFFFFFFFF;
	(pc) =	sbr.abs _section_cstart, $3  }
0xc3: {  	[dreg:$0x1] =	wrdreg $0xFFFFFFFF  }
0xc4: {  	_ =	task.clear_ibuf [dreg:s8], $0x2FFFF;
	_ =	strace $0x9FFFFFFF  }
0xc5: {  	(tm) =	ssettm $0x7FFFFFFF  }
tec
execute0_lowered:
.L_overlay_start_1:
0x0: {  	(tag) =	ssettag $0x1  }
0x1: {  	s1 =	rddreg [dreg:$0x0]  }
0x2: {  	s5 =	rddreg [dreg:$0x1]  }
0x3: {  	s6 =	rddreg [dreg:$0x2]  }
0x4: {  	s3 =	rddreg [dreg:$0x3];
	s4 =	simm.s32 $0x0  }
0x5: {  	s10 =	simm.s32 $0x180;
	[smem:$0x7FF] =	sst s4  }
0x6: {  	s12 =	simm.s32 $0x1100;
	_ =	strace $0x80000047;
	[dreg:$0xa] =	wrdreg s10  }
0x7: {  	s14 =	simm.s32 $0x200;
	[dreg:$0xb] =	wrdreg s12  }
0x8: {  	s15 =	simm.s32 $0x1180;
	[dreg:$0xc] =	wrdreg s14  }
0x9: {  	s17 =	sadd.s32 $0x10400, s6;
	[dreg:$0xd] =	wrdreg s15  }
0xa: {  	s16 =	simm.s32 $0x280;
	[smem:$0x7E3] =	sst s17  }
0xb: {  	s18 =	simm.s32 $0x1200;
	[dreg:$0xe] =	wrdreg s16  }
0xc: {  	s0 =	srdreg.scid;
	s19 =	simm.s32 $0x300;
	[dreg:$0xf] =	wrdreg s18  }
0xd: {  	s2 =	stileid.u32;
	s21 =	simm.s32 $0x1280;
	[dreg:$0x10] =	wrdreg s19  }
0xe: {  	s23 =	simm.s32 $0x380;
	s24 =	simm.s32 $0x1300;
	[dreg:$0x11] =	wrdreg s21  }
0xf: {  	s26 =	simm.s32 $0x400;
	s7 =	sshll.u32 s2, $0xC;
	[dreg:$0x12] =	wrdreg s23  }
0x10: {  	s28 =	simm.s32 $0x5;
	s8 =	sadd.s32 s7, s6;
	[dreg:$0x13] =	wrdreg s24  }
0x11: {  	s5 =	sadd.s32 s7, s5;
	s7 =	simm.s32 $0x80;
	[dreg:$0x14] =	wrdreg s26  }
0x12: {  	s29 =	simm.s32 $0x6;
	s12 =	simm.s32 $0x480;
	[dreg:$0x7] =	wrdreg s7  }
0x13: {  	s30 =	simm.s32 $0xB00;
	s14 =	sshll.u32 s2, $0x6;
	[dreg:$0x16] =	wrdreg s12  }
0x14: {  	s31 =	simm.s32 $0x1A80;
	s15 =	simm.s32 $0x500;
	[smem:$0x7E4] =	sst s14  }
0x15: {  	s0 =	sand.u32 $0x1, s0;
	s16 =	simm.s32 $0x1480;
	[dreg:$0x18] =	wrdreg s15  }
0x16: {  	s11 =	sshll.u32 s2, $0x2;
	s17 =	simm.s32 $0x580;
	[dreg:$0x19] =	wrdreg s16  }
0x17: {  	s25 =	smul.u32 $0x4E000, s2;
	s19 =	simm.s32 $0x1500;
	[dreg:$0x1a] =	wrdreg s17  }
0x18: {  	s9 =	sshll.u32 s0, $0xB;
	s24 =	simm.s32 $0x680;
	[dreg:$0x1b] =	wrdreg s19  }
0x19: {  	p0 =	sne.s32 s2, $0xF;
	s8 =	sadd.s32 s9, s8;
	[dreg:$0x1e] =	wrdreg s24  }
0x1a: {  	s13 =	sshll.u32 s0, $0x1;
	s5 =	sadd.s32 s9, s5;
	[dreg:$0x5] =	wrdreg s8  }
0x1b: {  	s20 =	ssub.s32 $0x2, s0;
	s9 =	simm.s32 $0x1080;
	[dreg:$0x6] =	wrdreg s5  }
0x1c: {  	s7 =	sor.u32 s13, s11;
	s11 =	simm.s32 $0x1380;
	[dreg:$0x9] =	wrdreg s9  }
0x1d: {  	s10 =	smul.u32 $0x2700, s2;
	s13 =	simm.s32 $0x1400;
	[dreg:$0x15] =	wrdreg s11  }
0x1e: {  	s22 =	sshrl.u32 s20, $0x1;
	s16 =	simm.s32 $0x800;
	[dreg:$0x17] =	wrdreg s13  }
0x1f: {  	s12 =	sadd.s32 $0x138000, s3;
	s17 =	simm.s32 $0x1780;
	[smem:$0x7EF] =	sst s16  }
0x20: {  	s19 =	simm.s32 $0x1800;
	s24 =	simm.s32 $0xA00;
	[smem:$0x7F0] =	sst s17  }
0x21: {  	s8 =	simm.s32 $0x100;
	s9 =	ssub.s32 s20, s22;
	[smem:$0x7F2] =	sst s19  }
0x22: {  	s13 =	smul.u32 $0x27100, s0;
	s20 =	simm.s32 $0x600;
	[smem:$0x7F7] =	sst s24  }
0x23: {  	s22 =	simm.s32 $0x1580;
	s0 =	smul.u32 $0x138800, s0;
	[dreg:$0x8] =	wrdreg s8  }
0x24: {  	s12 =	sshrl.u32 @!p0 s12, $0x3;
	s16 =	simm.s32 $0x8;
	[dreg:$0x1c] =	wrdreg s20  }
0x25: {  	s19 =	simm.s32 $0x60;
	s5 =	simm.s32 $0x1A00;
	[dreg:$0x1d] =	wrdreg s22  }
0x26: {  	s24 =	simm.s32 $0x2;
	s8 =	sadd.s32 s7, s6;
	[smem:$0x7FA] =	sst s5  }
0x27: {  	s7 =	sshrl.u32 s25, $0x2;
	s25 =	simm.s32 $0x1600;
	[smem:$0x7FD] =	sst s12  }
0x28: {  	s17 =	simm.s32 $0x1C80;
	s15 =	smax.u32 s9, $0x1;
	[dreg:$0x1f] =	wrdreg s25  }
0x29: {  	s6 =	sadd.s32 $0x12C00, s6;
	s20 =	simm.s32 $0x900;
	[smem:$0x7ED] =	sst s15  }
0x2a: {  	s22 =	simm.s32 $0x980;
	s9 =	simm.s32 $0xC00;
	[smem:$0x7F3] =	sst s20  }
0x2b: {  	s11 =	sadd.s32 s7, s3;
	s7 =	sor.u32 $0x1C07, s14;
	[smem:$0x7F5] =	sst s22  }
0x2c: {  	s18 =	sadd.s32 $0x10200, s8;
	s21 =	sadd.s32 $0x10000, s8;
	[smem:$0x7E5] =	sst s7  }
0x2d: {  	s23 =	sadd.s32 s10, s13;
	s8 =	simm.s32 $0x700;
	[smem:$0x7E6] =	sst s18  }
0x2e: {  	s0 =	sshrl.u32 s0, $0x3;
	s10 =	simm.s32 $0x1680;
	[smem:$0x7E7] =	sst s21  }
0x2f: {  	s13 =	simm.s32 $0x780;
	s14 =	simm.s32 $0x1700;
	[smem:$0x7E9] =	sst s8  }
0x30: {  	s20 =	simm.s32 $0x2100;
	s25 =	simm.s32 $0x1980;
	[smem:$0x7EA] =	sst s10  }
0x31: {  	s22 =	simm.s32 $0x1;
	s15 =	simm.s32 $0xC80;
	[smem:$0x7EC] =	sst s13  }
0x32: {  	s26 =	sadd.s32 s6, s23;
	s0 =	sadd.s32 s6, s0;
	[smem:$0x7EE] =	sst s14  }
0x33: {  	s13 =	sshrl.u32 s11, $0x3;
	s18 =	simm.s32 $0x880;
	[smem:$0x7F8] =	sst s25  }
0x34: {  	s14 =	simm.s32 $0x2000;
	s21 =	simm.s32 $0x1880;
	[smem:$0x7E8] =	sst s26  }
0x35: {  	s6 =	simm.s32 $0x2080;
	s23 =	simm.s32 $0x1900;
	[smem:$0x7F1] =	sst s18  }
0x36: {  	s25 =	simm.s32 $0x4;
	s8 =	simm.s32 $0x1B00;
	[smem:$0x7F4] =	sst s21  }
0x37: {  	s10 =	simm.s32 $0x1B80;
	s7 =	simm.s32 $0x0;
	[smem:$0x7F6] =	sst s23  }
0x38: {  	s11 =	simm.s32 $0x1C00;
	s0 =	sadd.s32 $0x27000, s0;
	[smem:$0x7FB] =	sst s7  }
0x39: {  	s18 =	simm.s32 $0x1000;
	s21 =	simm.s32 $0x5100;
	[smem:$0x7FC] =	sst s13  }
0x3a: {  	s26 =	simm.s32 $0xA80;
	s23 =	simm.s32 $0x8100;
	[smem:$0x7EB] =	sst s0  }
0x3b: {  	[smem:$0x7F9] =	sst s26;
	s26 =	simm.s32 $0x3;
	s0 =	simm.s32 $0xB80  }
.LBB2_1:
0x3c: {  	s5 =	sld [smem:$0x7E3]  }
0x3d: {  	s7 =	sld [smem:$0x7E5];
	_ =	sdelay $0x2  }
0x3e: {  	[spmem:s13], [sflag:s7] =	dma.local [hbm:s5], $0x2700  }
0x3f: {  	[spmem:s12], [sflag:s7] =	dma.local @!p0 [hbm:s5], $0x100  }
0x40: {  	s5 =	sld [smem:$0x7E6];
	_ =	sdelay $0x2  }
0x41: {  	[tilespmem:s14], [sflag:$0x8] =	stream.linear.gather [hbm4b:s5+s4], $0x10, $0x38;
	[tilespmem:$0x1E980] =	vst v63  }
0x42: {  	_ =	swait.ge [sflag:s16], $0x10  }
0x43: {  	s7 =	sld [smem:$0x7E7]  }
0x44: {  	[sflag:s16] =	ssyncset.done $0x0  }
0x45: {  	[sflag:s16] =	ssyncadd.s32 $0xFFFFFFF0  }
0x46: {  	[tilespmem:s6], [sflag:$0x8] =	stream.linear.gather [hbm4b:s7+s4], $0x10, $0x38;
	[tilespmem:$0x1E980] =	vst v63  }
0x47: {  	_ =	swait.ge [sflag:s16], $0x10  }
0x48: {  	s12 =	rddreg [dreg:$0x6];
	[sflag:s16] =	ssyncset.done $0x0  }
0x49: {  	[sflag:s16] =	ssyncadd.s32 $0xFFFFFFF0;
	s5 =	sadd.s32 $0x0, s12  }
0x4a: {  	[tilespmem:s4], [sflag:$0x8] =	stream.linear.gather [hbm4b:s5+s4], $0xD00, $0x38;
	[tilespmem:$0x1E980] =	vst v63  }
0x4b: {  	_ =	swait.ge [sflag:s16], $0xD00  }
0x4c: {  	s13 =	rddreg [dreg:$0x5];
	[sflag:s16] =	ssyncset.done $0x0  }
0x4d: {  	[sflag:s16] =	ssyncadd.s32 $0xFFFFF300;
	s5 =	sadd.s32 $0x0, s13  }
0x4e: {  	[tilespmem:s18], [sflag:$0x8] =	stream.linear.gather [hbm4b:s5+s4], $0xD00, $0x38;
	[tilespmem:$0x1E980] =	vst v63  }
0x4f: {  	_ =	swait.ge [sflag:s16], $0xD00  }
0x50: {  	[sflag:s16] =	ssyncset.done $0x0  }
0x51: {  	p1 =	por $0x0, $0x0;
	[sflag:s16] =	ssyncadd.s32 $0xFFFFF300  }
0x52: {  	[tilespmem:s20], [sflag:$0x1] =	stream.indirect.gather [hbm4b:s1+s19], $0x80, s4, s19, $0xb8;
	[tilespmem:$0x1E980] =	vst v63  }
0x53: {  	s12 =	simm.s32 @!p1 $0x7;
	s14 =	rddreg [dreg:$0x7]  }
0x54: {  	[tilespmem:s21], [sflag:$0x2] =	stream.indirect.gather [hbm4b:s1+s19], $0x80, s14, s19, $0xb8;
	[tilespmem:$0x1E980] =	vst v63  }
0x55: {  	p2 =	sne.s32 @!p1 s2, $0xF;
	_ =	swait.ge @!p1 [sflag:s12], $0x2700  }
0x56: {  	p2 =	por p2, p1;
	[sflag:s12] =	ssyncset.done @!p1 $0x0  }
0x57: {  	s5 =	simm.s32 @!p2 $0x7;
	[sflag:s12] =	ssyncadd.s32 @!p1 $0xFFFFD900  }
0x58: {  	_ =	swait.ge @!p2 [sflag:s5], $0x100  }
0x59: {  	[sflag:s5] =	ssyncset.done @!p2 $0x0  }
0x5a: {  	[sflag:s5] =	ssyncadd.s32 @!p2 $0xFFFFFF00  }
0x5b: {  	[bflag:$0x0] =	sbarrier.arrive @!p1 $0xFFFF  }
0x5c: {  	_ =	swait.ge [sflag:s22], $0x3000  }
0x5d: {  	[sflag:s22] =	ssyncset.done $0x0  }
0x5e: {  	[sflag:s22] =	ssyncadd.s32 $0xFFFFD000  }
0x5f: {  	[spmem:s3] =	stream.indirect.scatter.add.f32 [tilespmem:s20], [sflag:$0x4], $0x80, s18, s19, $0xb8;
	[tilespmem:$0x1E980] =	vst v63  }
0x60: {  	s6 =	rddreg [dreg:$0x8]  }
0x61: {  	[tilespmem:s23], [sflag:$0x3] =	stream.indirect.gather [hbm4b:s1+s19], $0x80, s6, s19, $0xb8;
	[tilespmem:$0x1E980] =	vst v63  }
0x62: {  	_ =	swait.ge [sflag:s24], $0x3000  }
0x63: {  	[sflag:s24] =	ssyncset.done $0x0  }
0x64: {  	s7 =	rddreg [dreg:$0x9];
	[sflag:s24] =	ssyncadd.s32 $0xFFFFD000  }
0x65: {  	[spmem:s3] =	stream.indirect.scatter.add.f32 [tilespmem:s21], [sflag:$0x5], $0x80, s7, s19, $0xb8;
	[tilespmem:$0x1E980] =	vst v63  }
0x66: {  	_ =	swait.ge [sflag:s25], $0x3000  }
0x67: {  	[sflag:s25] =	ssyncset.done $0x0  }
0x68: {  	s12 =	rddreg [dreg:$0xa];
	[sflag:s25] =	ssyncadd.s32 $0xFFFFD000  }
0x69: {  	[tilespmem:s20], [sflag:$0x1] =	stream.indirect.gather [hbm4b:s1+s19], $0x80, s12, s19, $0xb8;
	[tilespmem:$0x1E980] =	vst v63  }
0x6a: {  	_ =	swait.ge [sflag:s26], $0x3000  }
0x6b: {  	[sflag:s26] =	ssyncset.done $0x0  }
0x6c: {  	s13 =	rddreg [dreg:$0xb];
	[sflag:s26] =	ssyncadd.s32 $0xFFFFD000  }
0x6d: {  	[spmem:s3] =	stream.indirect.scatter.add.f32 [tilespmem:s23], [sflag:$0x6], $0x80, s13, s19, $0xb8;
	[tilespmem:$0x1E980] =	vst v63  }
0x6e: {  	_ =	swait.ge [sflag:s28], $0x3000  }
0x6f: {  	[sflag:s28] =	ssyncset.done $0x0  }
0x70: {  	s14 =	rddreg [dreg:$0xc];
	[sflag:s28] =	ssyncadd.s32 $0xFFFFD000  }
0x71: {  	[tilespmem:s21], [sflag:$0x2] =	stream.indirect.gather [hbm4b:s1+s19], $0x80, s14, s19, $0xb8;
	[tilespmem:$0x1E980] =	vst v63  }
0x72: {  	_ =	swait.ge [sflag:s22], $0x3000  }
0x73: {  	[sflag:s22] =	ssyncset.done $0x0  }
0x74: {  	s6 =	rddreg [dreg:$0xd];
	[sflag:s22] =	ssyncadd.s32 $0xFFFFD000  }
0x75: {  	[spmem:s3] =	stream.indirect.scatter.add.f32 [tilespmem:s20], [sflag:$0x4], $0x80, s6, s19, $0xb8;
	[tilespmem:$0x1E980] =	vst v63  }
0x76: {  	_ =	swait.ge [sflag:s29], $0x3000  }
0x77: {  	[sflag:s29] =	ssyncset.done $0x0  }
0x78: {  	s7 =	rddreg [dreg:$0xe];
	[sflag:s29] =	ssyncadd.s32 $0xFFFFD000  }
0x79: {  	[tilespmem:s23], [sflag:$0x3] =	stream.indirect.gather [hbm4b:s1+s19], $0x80, s7, s19, $0xb8;
	[tilespmem:$0x1E980] =	vst v63  }
0x7a: {  	_ =	swait.ge [sflag:s24], $0x3000  }
0x7b: {  	[sflag:s24] =	ssyncset.done $0x0  }
0x7c: {  	s12 =	rddreg [dreg:$0xf];
	[sflag:s24] =	ssyncadd.s32 $0xFFFFD000  }
0x7d: {  	[spmem:s3] =	stream.indirect.scatter.add.f32 [tilespmem:s21], [sflag:$0x5], $0x80, s12, s19, $0xb8;
	[tilespmem:$0x1E980] =	vst v63  }
0x7e: {  	_ =	swait.ge [sflag:s25], $0x3000  }
0x7f: {  	[sflag:s25] =	ssyncset.done $0x0  }
0x80: {  	s13 =	rddreg [dreg:$0x10];
	[sflag:s25] =	ssyncadd.s32 $0xFFFFD000  }
0x81: {  	[tilespmem:s20], [sflag:$0x1] =	stream.indirect.gather [hbm4b:s1+s19], $0x80, s13, s19, $0xb8;
	[tilespmem:$0x1E980] =	vst v63  }
0x82: {  	_ =	swait.ge [sflag:s26], $0x3000  }
0x83: {  	[sflag:s26] =	ssyncset.done $0x0  }
0x84: {  	s14 =	rddreg [dreg:$0x11];
	[sflag:s26] =	ssyncadd.s32 $0xFFFFD000  }
0x85: {  	[spmem:s3] =	stream.indirect.scatter.add.f32 [tilespmem:s23], [sflag:$0x6], $0x80, s14, s19, $0xb8;
	[tilespmem:$0x1E980] =	vst v63  }
0x86: {  	_ =	swait.ge [sflag:s28], $0x3000  }
0x87: {  	[sflag:s28] =	ssyncset.done $0x0  }
0x88: {  	s6 =	rddreg [dreg:$0x12];
	[sflag:s28] =	ssyncadd.s32 $0xFFFFD000  }
0x89: {  	[tilespmem:s21], [sflag:$0x2] =	stream.indirect.gather [hbm4b:s1+s19], $0x80, s6, s19, $0xb8;
	[tilespmem:$0x1E980] =	vst v63  }
0x8a: {  	_ =	swait.ge [sflag:s22], $0x3000  }
0x8b: {  	[sflag:s22] =	ssyncset.done $0x0  }
0x8c: {  	s7 =	rddreg [dreg:$0x13];
	[sflag:s22] =	ssyncadd.s32 $0xFFFFD000  }
0x8d: {  	[spmem:s3] =	stream.indirect.scatter.add.f32 [tilespmem:s20], [sflag:$0x4], $0x80, s7, s19, $0xb8;
	[tilespmem:$0x1E980] =	vst v63  }
0x8e: {  	_ =	swait.ge [sflag:s29], $0x3000  }
0x8f: {  	[sflag:s29] =	ssyncset.done $0x0  }
0x90: {  	s12 =	rddreg [dreg:$0x14];
	[sflag:s29] =	ssyncadd.s32 $0xFFFFD000  }
0x91: {  	[tilespmem:s23], [sflag:$0x3] =	stream.indirect.gather [hbm4b:s1+s19], $0x80, s12, s19, $0xb8;
	[tilespmem:$0x1E980] =	vst v63  }
0x92: {  	_ =	swait.ge [sflag:s24], $0x3000  }
0x93: {  	[sflag:s24] =	ssyncset.done $0x0  }
0x94: {  	s13 =	rddreg [dreg:$0x15];
	[sflag:s24] =	ssyncadd.s32 $0xFFFFD000  }
0x95: {  	[spmem:s3] =	stream.indirect.scatter.add.f32 [tilespmem:s21], [sflag:$0x5], $0x80, s13, s19, $0xb8;
	[tilespmem:$0x1E980] =	vst v63  }
0x96: {  	_ =	swait.ge [sflag:s25], $0x3000  }
0x97: {  	[sflag:s25] =	ssyncset.done $0x0  }
0x98: {  	s14 =	rddreg [dreg:$0x16];
	[sflag:s25] =	ssyncadd.s32 $0xFFFFD000  }
0x99: {  	[tilespmem:s20], [sflag:$0x1] =	stream.indirect.gather [hbm4b:s1+s19], $0x80, s14, s19, $0xb8;
	[tilespmem:$0x1E980] =	vst v63  }
0x9a: {  	_ =	swait.ge [sflag:s26], $0x3000  }
0x9b: {  	[sflag:s26] =	ssyncset.done $0x0  }
0x9c: {  	s6 =	rddreg [dreg:$0x17];
	[sflag:s26] =	ssyncadd.s32 $0xFFFFD000  }
0x9d: {  	[spmem:s3] =	stream.indirect.scatter.add.f32 [tilespmem:s23], [sflag:$0x6], $0x80, s6, s19, $0xb8;
	[tilespmem:$0x1E980] =	vst v63  }
0x9e: {  	_ =	swait.ge [sflag:s28], $0x3000  }
0x9f: {  	[sflag:s28] =	ssyncset.done $0x0  }
0xa0: {  	s7 =	rddreg [dreg:$0x18];
	[sflag:s28] =	ssyncadd.s32 $0xFFFFD000  }
0xa1: {  	[tilespmem:s21], [sflag:$0x2] =	stream.indirect.gather [hbm4b:s1+s19], $0x80, s7, s19, $0xb8;
	[tilespmem:$0x1E980] =	vst v63  }
0xa2: {  	_ =	swait.ge [sflag:s22], $0x3000  }
0xa3: {  	[sflag:s22] =	ssyncset.done $0x0  }
0xa4: {  	s12 =	rddreg [dreg:$0x19];
	[sflag:s22] =	ssyncadd.s32 $0xFFFFD000  }
0xa5: {  	[spmem:s3] =	stream.indirect.scatter.add.f32 [tilespmem:s20], [sflag:$0x4], $0x80, s12, s19, $0xb8;
	[tilespmem:$0x1E980] =	vst v63  }
0xa6: {  	_ =	swait.ge [sflag:s29], $0x3000  }
0xa7: {  	[sflag:s29] =	ssyncset.done $0x0  }
0xa8: {  	s13 =	rddreg [dreg:$0x1a];
	[sflag:s29] =	ssyncadd.s32 $0xFFFFD000  }
0xa9: {  	[tilespmem:s23], [sflag:$0x3] =	stream.indirect.gather [hbm4b:s1+s19], $0x80, s13, s19, $0xb8;
	[tilespmem:$0x1E980] =	vst v63  }
0xaa: {  	_ =	swait.ge [sflag:s24], $0x3000  }
0xab: {  	[sflag:s24] =	ssyncset.done $0x0  }
0xac: {  	s14 =	rddreg [dreg:$0x1b];
	[sflag:s24] =	ssyncadd.s32 $0xFFFFD000  }
0xad: {  	[spmem:s3] =	stream.indirect.scatter.add.f32 [tilespmem:s21], [sflag:$0x5], $0x80, s14, s19, $0xb8;
	[tilespmem:$0x1E980] =	vst v63  }
0xae: {  	_ =	swait.ge [sflag:s25], $0x3000  }
0xaf: {  	[sflag:s25] =	ssyncset.done $0x0  }
0xb0: {  	s6 =	rddreg [dreg:$0x1c];
	[sflag:s25] =	ssyncadd.s32 $0xFFFFD000  }
0xb1: {  	[tilespmem:s20], [sflag:$0x1] =	stream.indirect.gather [hbm4b:s1+s19], $0x80, s6, s19, $0xb8;
	[tilespmem:$0x1E980] =	vst v63  }
0xb2: {  	_ =	swait.ge [sflag:s26], $0x3000  }
0xb3: {  	[sflag:s26] =	ssyncset.done $0x0  }
0xb4: {  	s7 =	rddreg [dreg:$0x1d];
	[sflag:s26] =	ssyncadd.s32 $0xFFFFD000  }
0xb5: {  	[spmem:s3] =	stream.indirect.scatter.add.f32 [tilespmem:s23], [sflag:$0x6], $0x80, s7, s19, $0xb8;
	[tilespmem:$0x1E980] =	vst v63  }
0xb6: {  	_ =	swait.ge [sflag:s28], $0x3000  }
0xb7: {  	[sflag:s28] =	ssyncset.done $0x0  }
0xb8: {  	s12 =	rddreg [dreg:$0x1e];
	[sflag:s28] =	ssyncadd.s32 $0xFFFFD000  }
0xb9: {  	[tilespmem:s21], [sflag:$0x2] =	stream.indirect.gather [hbm4b:s1+s19], $0x80, s12, s19, $0xb8;
	[tilespmem:$0x1E980] =	vst v63  }
0xba: {  	_ =	swait.ge [sflag:s22], $0x3000  }
0xbb: {  	[sflag:s22] =	ssyncset.done $0x0  }
0xbc: {  	s13 =	rddreg [dreg:$0x1f];
	[sflag:s22] =	ssyncadd.s32 $0xFFFFD000  }
0xbd: {  	[spmem:s3] =	stream.indirect.scatter.add.f32 [tilespmem:s20], [sflag:$0x4], $0x80, s13, s19, $0xb8;
	[tilespmem:$0x1E980] =	vst v63  }
0xbe: {  	_ =	swait.ge [sflag:s29], $0x3000  }
0xbf: {  	s14 =	sld [smem:$0x7E9]  }
0xc0: {  	[sflag:s29] =	ssyncset.done $0x0  }
0xc1: {  	[sflag:s29] =	ssyncadd.s32 $0xFFFFD000  }
0xc2: {  	[tilespmem:s23], [sflag:$0x3] =	stream.indirect.gather [hbm4b:s1+s19], $0x80, s14, s19, $0xb8;
	[tilespmem:$0x1E980] =	vst v63  }
0xc3: {  	_ =	swait.ge [sflag:s24], $0x3000  }
0xc4: {  	s6 =	sld [smem:$0x7EA]  }
0xc5: {  	[sflag:s24] =	ssyncset.done $0x0  }
0xc6: {  	[sflag:s24] =	ssyncadd.s32 $0xFFFFD000  }
0xc7: {  	[spmem:s3] =	stream.indirect.scatter.add.f32 [tilespmem:s21], [sflag:$0x5], $0x80, s6, s19, $0xb8;
	[tilespmem:$0x1E980] =	vst v63  }
0xc8: {  	_ =	swait.ge [sflag:s25], $0x3000  }
0xc9: {  	s7 =	sld [smem:$0x7EC]  }
0xca: {  	[sflag:s25] =	ssyncset.done $0x0  }
0xcb: {  	[sflag:s25] =	ssyncadd.s32 $0xFFFFD000  }
0xcc: {  	[tilespmem:s20], [sflag:$0x1] =	stream.indirect.gather [hbm4b:s1+s19], $0x80, s7, s19, $0xb8;
	[tilespmem:$0x1E980] =	vst v63  }
0xcd: {  	_ =	swait.ge [sflag:s26], $0x3000  }
0xce: {  	s12 =	sld [smem:$0x7EE]  }
0xcf: {  	[sflag:s26] =	ssyncset.done $0x0  }
0xd0: {  	[sflag:s26] =	ssyncadd.s32 $0xFFFFD000  }
0xd1: {  	[spmem:s3] =	stream.indirect.scatter.add.f32 [tilespmem:s23], [sflag:$0x6], $0x80, s12, s19, $0xb8;
	[tilespmem:$0x1E980] =	vst v63  }
0xd2: {  	_ =	swait.ge [sflag:s28], $0x3000  }
0xd3: {  	s13 =	sld [smem:$0x7EF]  }
0xd4: {  	[sflag:s28] =	ssyncset.done $0x0  }
0xd5: {  	[sflag:s28] =	ssyncadd.s32 $0xFFFFD000  }
0xd6: {  	[tilespmem:s21], [sflag:$0x2] =	stream.indirect.gather [hbm4b:s1+s19], $0x80, s13, s19, $0xb8;
	[tilespmem:$0x1E980] =	vst v63  }
0xd7: {  	_ =	swait.ge [sflag:s22], $0x3000  }
0xd8: {  	s14 =	sld [smem:$0x7F0]  }
0xd9: {  	[sflag:s22] =	ssyncset.done $0x0  }
0xda: {  	[sflag:s22] =	ssyncadd.s32 $0xFFFFD000  }
0xdb: {  	[spmem:s3] =	stream.indirect.scatter.add.f32 [tilespmem:s20], [sflag:$0x4], $0x80, s14, s19, $0xb8;
	[tilespmem:$0x1E980] =	vst v63  }
0xdc: {  	_ =	swait.ge [sflag:s29], $0x3000  }
0xdd: {  	s6 =	sld [smem:$0x7F1]  }
0xde: {  	[sflag:s29] =	ssyncset.done $0x0  }
0xdf: {  	[sflag:s29] =	ssyncadd.s32 $0xFFFFD000  }
0xe0: {  	[tilespmem:s23], [sflag:$0x3] =	stream.indirect.gather [hbm4b:s1+s19], $0x80, s6, s19, $0xb8;
	[tilespmem:$0x1E980] =	vst v63  }
0xe1: {  	_ =	swait.ge [sflag:s24], $0x3000  }
0xe2: {  	s7 =	sld [smem:$0x7F2]  }
0xe3: {  	[sflag:s24] =	ssyncset.done $0x0  }
0xe4: {  	[sflag:s24] =	ssyncadd.s32 $0xFFFFD000  }
0xe5: {  	[spmem:s3] =	stream.indirect.scatter.add.f32 [tilespmem:s21], [sflag:$0x5], $0x80, s7, s19, $0xb8;
	[tilespmem:$0x1E980] =	vst v63  }
0xe6: {  	_ =	swait.ge [sflag:s25], $0x3000  }
0xe7: {  	s12 =	sld [smem:$0x7F3]  }
0xe8: {  	[sflag:s25] =	ssyncset.done $0x0  }
0xe9: {  	[sflag:s25] =	ssyncadd.s32 $0xFFFFD000  }
0xea: {  	[tilespmem:s20], [sflag:$0x1] =	stream.indirect.gather [hbm4b:s1+s19], $0x80, s12, s19, $0xb8;
	[tilespmem:$0x1E980] =	vst v63  }
0xeb: {  	_ =	swait.ge [sflag:s26], $0x3000  }
0xec: {  	s13 =	sld [smem:$0x7F4]  }
0xed: {  	[sflag:s26] =	ssyncset.done $0x0  }
0xee: {  	[sflag:s26] =	ssyncadd.s32 $0xFFFFD000  }
0xef: {  	[spmem:s3] =	stream.indirect.scatter.add.f32 [tilespmem:s23], [sflag:$0x6], $0x80, s13, s19, $0xb8;
	[tilespmem:$0x1E980] =	vst v63  }
0xf0: {  	_ =	swait.ge [sflag:s28], $0x3000  }
0xf1: {  	s14 =	sld [smem:$0x7F5]  }
0xf2: {  	[sflag:s28] =	ssyncset.done $0x0  }
0xf3: {  	[sflag:s28] =	ssyncadd.s32 $0xFFFFD000  }
0xf4: {  	[tilespmem:s21], [sflag:$0x2] =	stream.indirect.gather [hbm4b:s1+s19], $0x80, s14, s19, $0xb8;
	[tilespmem:$0x1E980] =	vst v63  }
0xf5: {  	_ =	swait.ge [sflag:s22], $0x3000  }
0xf6: {  	s6 =	sld [smem:$0x7F6]  }
0xf7: {  	[sflag:s22] =	ssyncset.done $0x0  }
0xf8: {  	[sflag:s22] =	ssyncadd.s32 $0xFFFFD000  }
0xf9: {  	[spmem:s3] =	stream.indirect.scatter.add.f32 [tilespmem:s20], [sflag:$0x4], $0x80, s6, s19, $0xb8;
	[tilespmem:$0x1E980] =	vst v63  }
0xfa: {  	_ =	swait.ge [sflag:s29], $0x3000  }
0xfb: {  	s7 =	sld [smem:$0x7F7]  }
0xfc: {  	[sflag:s29] =	ssyncset.done $0x0  }
0xfd: {  	[sflag:s29] =	ssyncadd.s32 $0xFFFFD000  }
0xfe: {  	[tilespmem:s23], [sflag:$0x3] =	stream.indirect.gather [hbm4b:s1+s19], $0x80, s7, s19, $0xb8;
	[tilespmem:$0x1E980] =	vst v63  }
0xff: {  	_ =	swait.ge [sflag:s24], $0x3000  }
0x100: {  	s12 =	sld [smem:$0x7F8]  }
0x101: {  	[sflag:s24] =	ssyncset.done $0x0  }
0x102: {  	[sflag:s24] =	ssyncadd.s32 $0xFFFFD000  }
0x103: {  	[spmem:s3] =	stream.indirect.scatter.add.f32 [tilespmem:s21], [sflag:$0x5], $0x80, s12, s19, $0xb8;
	[tilespmem:$0x1E980] =	vst v63  }
0x104: {  	_ =	swait.ge [sflag:s25], $0x3000  }
0x105: {  	s13 =	sld [smem:$0x7F9]  }
0x106: {  	[sflag:s25] =	ssyncset.done $0x0  }
0x107: {  	[sflag:s25] =	ssyncadd.s32 $0xFFFFD000  }
0x108: {  	[tilespmem:s20], [sflag:$0x1] =	stream.indirect.gather [hbm4b:s1+s19], $0x80, s13, s19, $0xb8;
	[tilespmem:$0x1E980] =	vst v63  }
0x109: {  	_ =	swait.ge [sflag:s26], $0x3000  }
0x10a: {  	s14 =	sld [smem:$0x7FA]  }
0x10b: {  	[sflag:s26] =	ssyncset.done $0x0  }
0x10c: {  	[sflag:s26] =	ssyncadd.s32 $0xFFFFD000  }
0x10d: {  	[spmem:s3] =	stream.indirect.scatter.add.f32 [tilespmem:s23], [sflag:$0x6], $0x80, s14, s19, $0xb8;
	[tilespmem:$0x1E980] =	vst v63  }
0x10e: {  	_ =	swait.ge [sflag:s28], $0x3000  }
0x10f: {  	[sflag:s28] =	ssyncset.done $0x0  }
0x110: {  	[sflag:s28] =	ssyncadd.s32 $0xFFFFD000  }
0x111: {  	[tilespmem:s21], [sflag:$0x2] =	stream.indirect.gather [hbm4b:s1+s19], $0x80, s30, s19, $0xb8;
	[tilespmem:$0x1E980] =	vst v63  }
0x112: {  	_ =	swait.ge [sflag:s22], $0x3000  }
0x113: {  	[sflag:s22] =	ssyncset.done $0x0  }
0x114: {  	[sflag:s22] =	ssyncadd.s32 $0xFFFFD000  }
0x115: {  	[spmem:s3] =	stream.indirect.scatter.add.f32 [tilespmem:s20], [sflag:$0x4], $0x80, s31, s19, $0xb8;
	[tilespmem:$0x1E980] =	vst v63  }
0x116: {  	_ =	swait.ge [sflag:s29], $0x3000  }
0x117: {  	[sflag:s29] =	ssyncset.done $0x0  }
0x118: {  	[sflag:s29] =	ssyncadd.s32 $0xFFFFD000  }
0x119: {  	[tilespmem:s23], [sflag:$0x3] =	stream.indirect.gather [hbm4b:s1+s19], $0x80, s0, s19, $0xb8;
	[tilespmem:$0x1E980] =	vst v63  }
0x11a: {  	_ =	swait.ge [sflag:s24], $0x3000  }
0x11b: {  	[sflag:s24] =	ssyncset.done $0x0  }
0x11c: {  	[sflag:s24] =	ssyncadd.s32 $0xFFFFD000  }
0x11d: {  	[spmem:s3] =	stream.indirect.scatter.add.f32 [tilespmem:s21], [sflag:$0x5], $0x80, s8, s19, $0xb8;
	[tilespmem:$0x1E980] =	vst v63  }
0x11e: {  	_ =	swait.ge [sflag:s25], $0x3000  }
0x11f: {  	[sflag:s25] =	ssyncset.done $0x0  }
0x120: {  	[sflag:s25] =	ssyncadd.s32 $0xFFFFD000  }
0x121: {  	[tilespmem:s20], [sflag:$0x1] =	stream.indirect.gather [hbm4b:s1+s19], $0x80, s9, s19, $0xb8;
	[tilespmem:$0x1E980] =	vst v63  }
0x122: {  	_ =	swait.ge [sflag:s26], $0x3000  }
0x123: {  	[sflag:s26] =	ssyncset.done $0x0  }
0x124: {  	[sflag:s26] =	ssyncadd.s32 $0xFFFFD000  }
0x125: {  	[spmem:s3] =	stream.indirect.scatter.add.f32 [tilespmem:s23], [sflag:$0x6], $0x80, s10, s19, $0xb8;
	[tilespmem:$0x1E980] =	vst v63  }
0x126: {  	_ =	swait.ge [sflag:s28], $0x3000  }
0x127: {  	[sflag:s28] =	ssyncset.done $0x0  }
0x128: {  	[sflag:s28] =	ssyncadd.s32 $0xFFFFD000  }
0x129: {  	[tilespmem:s21], [sflag:$0x2] =	stream.indirect.gather [hbm4b:s1+s19], $0x80, s15, s19, $0xb8;
	[tilespmem:$0x1E980] =	vst v63  }
0x12a: {  	_ =	swait.ge [sflag:s22], $0x3000  }
0x12b: {  	[sflag:s22] =	ssyncset.done $0x0  }
0x12c: {  	[sflag:s22] =	ssyncadd.s32 $0xFFFFD000  }
0x12d: {  	[spmem:s3] =	stream.indirect.scatter.add.f32 [tilespmem:s20], [sflag:$0x4], $0x80, s11, s19, $0xb8;
	[tilespmem:$0x1E980] =	vst v63  }
0x12e: {  	_ =	swait.ge [sflag:s24], $0x3000  }
0x12f: {  	[sflag:s24] =	ssyncset.done $0x0  }
0x130: {  	[sflag:s24] =	ssyncadd.s32 $0xFFFFD000  }
0x131: {  	[spmem:s3] =	stream.indirect.scatter.add.f32 [tilespmem:s21], [sflag:$0x5], $0x80, s17, s19, $0xb8;
	[tilespmem:$0x1E980] =	vst v63  }
0x132: {  	_ =	swait.ge [sflag:s29], $0x3000  }
0x133: {  	[sflag:s29] =	ssyncset.done $0x0  }
0x134: {  	[sflag:s29] =	ssyncadd.s32 $0xFFFFD000  }
0x135: {  	_ =	swait.ge [sflag:s25], $0x3000  }
0x136: {  	[sflag:s25] =	ssyncset.done $0x0  }
0x137: {  	s5 =	simm.s32 $0x400;
	s12 =	simm.s32 $0x200;
	[sflag:s25] =	ssyncadd.s32 $0xFFFFD000  }
.LBB2_2:
0x138: {  	_ =	swait.ge [sflag:s28], $0x3000  }
0x139: {  	s13 =	rddreg [dreg:$0x6];
	[sflag:s28] =	ssyncset.done $0x0  }
0x13a: {  	[sflag:s28] =	ssyncadd.s32 $0xFFFFD000;
	s13 =	sadd.s32 s12, s13  }
0x13b: {  	[tilespmem:s4], [sflag:$0x8] =	stream.linear.gather [hbm4b:s13+s4], $0xD00, $0x38;
	[tilespmem:$0x1E980] =	vst v63  }
0x13c: {  	_ =	swait.ge [sflag:s16], $0xD00  }
0x13d: {  	[sflag:s16] =	ssyncset.done $0x0;
	s14 =	rddreg [dreg:$0x5]  }
0x13e: {  	[sflag:s16] =	ssyncadd.s32 $0xFFFFF300;
	s13 =	sadd.s32 s12, s14  }
0x13f: {  	[tilespmem:s18], [sflag:$0x8] =	stream.linear.gather [hbm4b:s13+s4], $0xD00, $0x38;
	[tilespmem:$0x1E980] =	vst v63  }
0x140: {  	_ =	swait.ge [sflag:s16], $0xD00  }
0x141: {  	[sflag:s16] =	ssyncset.done $0x0  }
0x142: {  	p2 =	sne.s32 s12, $0x0;
	[sflag:s16] =	ssyncadd.s32 $0xFFFFF300  }
0x143: {  	[tilespmem:s20], [sflag:$0x1] =	stream.indirect.gather [hbm4b:s1+s19], $0x80, s4, s19, $0xb8;
	[tilespmem:$0x1E980] =	vst v63  }
0x144: {  	s14 =	simm.s32 @!p2 $0x7;
	s6 =	rddreg [dreg:$0x7]  }
0x145: {  	[tilespmem:s21], [sflag:$0x2] =	stream.indirect.gather [hbm4b:s1+s19], $0x80, s6, s19, $0xb8;
	[tilespmem:$0x1E980] =	vst v63  }
0x146: {  	p3 =	sne.s32 @!p2 s2, $0xF;
	_ =	swait.ge @!p2 [sflag:s14], $0x2700  }
0x147: {  	s7 =	smov.u32 s5;
	p3 =	por p3, p2;
	[sflag:s14] =	ssyncset.done @!p2 $0x0  }
0x148: {  	s12 =	smov.u32 s7;
	s7 =	simm.s32 @!p3 $0x7;
	[sflag:s14] =	ssyncadd.s32 @!p2 $0xFFFFD900  }
0x149: {  	_ =	swait.ge @!p3 [sflag:s7], $0x100  }
0x14a: {  	[sflag:s7] =	ssyncset.done @!p3 $0x0  }
0x14b: {  	[sflag:s7] =	ssyncadd.s32 @!p3 $0xFFFFFF00  }
0x14c: {  	[bflag:$0x0] =	sbarrier.arrive @!p2 $0xFFFF  }
0x14d: {  	_ =	swait.ge [sflag:s22], $0x3000  }
0x14e: {  	[sflag:s22] =	ssyncset.done $0x0  }
0x14f: {  	[sflag:s22] =	ssyncadd.s32 $0xFFFFD000  }
0x150: {  	[spmem:s3] =	stream.indirect.scatter.add.f32 [tilespmem:s20], [sflag:$0x4], $0x80, s18, s19, $0xb8;
	[tilespmem:$0x1E980] =	vst v63  }
0x151: {  	s14 =	rddreg [dreg:$0x8]  }
0x152: {  	[tilespmem:s23], [sflag:$0x3] =	stream.indirect.gather [hbm4b:s1+s19], $0x80, s14, s19, $0xb8;
	[tilespmem:$0x1E980] =	vst v63  }
0x153: {  	_ =	swait.ge [sflag:s24], $0x3000  }
0x154: {  	[sflag:s24] =	ssyncset.done $0x0  }
0x155: {  	s6 =	rddreg [dreg:$0x9];
	[sflag:s24] =	ssyncadd.s32 $0xFFFFD000  }
0x156: {  	[spmem:s3] =	stream.indirect.scatter.add.f32 [tilespmem:s21], [sflag:$0x5], $0x80, s6, s19, $0xb8;
	[tilespmem:$0x1E980] =	vst v63  }
0x157: {  	_ =	swait.ge [sflag:s25], $0x3000  }
0x158: {  	[sflag:s25] =	ssyncset.done $0x0  }
0x159: {  	s13 =	rddreg [dreg:$0xa];
	[sflag:s25] =	ssyncadd.s32 $0xFFFFD000  }
0x15a: {  	[tilespmem:s20], [sflag:$0x1] =	stream.indirect.gather [hbm4b:s1+s19], $0x80, s13, s19, $0xb8;
	[tilespmem:$0x1E980] =	vst v63  }
0x15b: {  	_ =	swait.ge [sflag:s26], $0x3000  }
0x15c: {  	[sflag:s26] =	ssyncset.done $0x0  }
0x15d: {  	s14 =	rddreg [dreg:$0xb];
	[sflag:s26] =	ssyncadd.s32 $0xFFFFD000  }
0x15e: {  	[spmem:s3] =	stream.indirect.scatter.add.f32 [tilespmem:s23], [sflag:$0x6], $0x80, s14, s19, $0xb8;
	[tilespmem:$0x1E980] =	vst v63  }
0x15f: {  	_ =	swait.ge [sflag:s28], $0x3000  }
0x160: {  	[sflag:s28] =	ssyncset.done $0x0  }
0x161: {  	s6 =	rddreg [dreg:$0xc];
	[sflag:s28] =	ssyncadd.s32 $0xFFFFD000  }
0x162: {  	[tilespmem:s21], [sflag:$0x2] =	stream.indirect.gather [hbm4b:s1+s19], $0x80, s6, s19, $0xb8;
	[tilespmem:$0x1E980] =	vst v63  }
0x163: {  	_ =	swait.ge [sflag:s22], $0x3000  }
0x164: {  	[sflag:s22] =	ssyncset.done $0x0  }
0x165: {  	s13 =	rddreg [dreg:$0xd];
	[sflag:s22] =	ssyncadd.s32 $0xFFFFD000  }
0x166: {  	[spmem:s3] =	stream.indirect.scatter.add.f32 [tilespmem:s20], [sflag:$0x4], $0x80, s13, s19, $0xb8;
	[tilespmem:$0x1E980] =	vst v63  }
0x167: {  	_ =	swait.ge [sflag:s29], $0x3000  }
0x168: {  	[sflag:s29] =	ssyncset.done $0x0  }
0x169: {  	s14 =	rddreg [dreg:$0xe];
	[sflag:s29] =	ssyncadd.s32 $0xFFFFD000  }
0x16a: {  	[tilespmem:s23], [sflag:$0x3] =	stream.indirect.gather [hbm4b:s1+s19], $0x80, s14, s19, $0xb8;
	[tilespmem:$0x1E980] =	vst v63  }
0x16b: {  	_ =	swait.ge [sflag:s24], $0x3000  }
0x16c: {  	[sflag:s24] =	ssyncset.done $0x0  }
0x16d: {  	s6 =	rddreg [dreg:$0xf];
	[sflag:s24] =	ssyncadd.s32 $0xFFFFD000  }
0x16e: {  	[spmem:s3] =	stream.indirect.scatter.add.f32 [tilespmem:s21], [sflag:$0x5], $0x80, s6, s19, $0xb8;
	[tilespmem:$0x1E980] =	vst v63  }
0x16f: {  	_ =	swait.ge [sflag:s25], $0x3000  }
0x170: {  	[sflag:s25] =	ssyncset.done $0x0  }
0x171: {  	s13 =	rddreg [dreg:$0x10];
	[sflag:s25] =	ssyncadd.s32 $0xFFFFD000  }
0x172: {  	[tilespmem:s20], [sflag:$0x1] =	stream.indirect.gather [hbm4b:s1+s19], $0x80, s13, s19, $0xb8;
	[tilespmem:$0x1E980] =	vst v63  }
0x173: {  	_ =	swait.ge [sflag:s26], $0x3000  }
0x174: {  	[sflag:s26] =	ssyncset.done $0x0  }
0x175: {  	s14 =	rddreg [dreg:$0x11];
	[sflag:s26] =	ssyncadd.s32 $0xFFFFD000  }
0x176: {  	[spmem:s3] =	stream.indirect.scatter.add.f32 [tilespmem:s23], [sflag:$0x6], $0x80, s14, s19, $0xb8;
	[tilespmem:$0x1E980] =	vst v63  }
0x177: {  	_ =	swait.ge [sflag:s28], $0x3000  }
0x178: {  	[sflag:s28] =	ssyncset.done $0x0  }
0x179: {  	s6 =	rddreg [dreg:$0x12];
	[sflag:s28] =	ssyncadd.s32 $0xFFFFD000  }
0x17a: {  	[tilespmem:s21], [sflag:$0x2] =	stream.indirect.gather [hbm4b:s1+s19], $0x80, s6, s19, $0xb8;
	[tilespmem:$0x1E980] =	vst v63  }
0x17b: {  	_ =	swait.ge [sflag:s22], $0x3000  }
0x17c: {  	[sflag:s22] =	ssyncset.done $0x0  }
0x17d: {  	s13 =	rddreg [dreg:$0x13];
	[sflag:s22] =	ssyncadd.s32 $0xFFFFD000  }
0x17e: {  	[spmem:s3] =	stream.indirect.scatter.add.f32 [tilespmem:s20], [sflag:$0x4], $0x80, s13, s19, $0xb8;
	[tilespmem:$0x1E980] =	vst v63  }
0x17f: {  	_ =	swait.ge [sflag:s29], $0x3000  }
0x180: {  	[sflag:s29] =	ssyncset.done $0x0  }
0x181: {  	s14 =	rddreg [dreg:$0x14];
	[sflag:s29] =	ssyncadd.s32 $0xFFFFD000  }
0x182: {  	[tilespmem:s23], [sflag:$0x3] =	stream.indirect.gather [hbm4b:s1+s19], $0x80, s14, s19, $0xb8;
	[tilespmem:$0x1E980] =	vst v63  }
0x183: {  	_ =	swait.ge [sflag:s24], $0x3000  }
0x184: {  	[sflag:s24] =	ssyncset.done $0x0  }
0x185: {  	s6 =	rddreg [dreg:$0x15];
	[sflag:s24] =	ssyncadd.s32 $0xFFFFD000  }
0x186: {  	[spmem:s3] =	stream.indirect.scatter.add.f32 [tilespmem:s21], [sflag:$0x5], $0x80, s6, s19, $0xb8;
	[tilespmem:$0x1E980] =	vst v63  }
0x187: {  	_ =	swait.ge [sflag:s25], $0x3000  }
0x188: {  	[sflag:s25] =	ssyncset.done $0x0  }
0x189: {  	s13 =	rddreg [dreg:$0x16];
	[sflag:s25] =	ssyncadd.s32 $0xFFFFD000  }
0x18a: {  	[tilespmem:s20], [sflag:$0x1] =	stream.indirect.gather [hbm4b:s1+s19], $0x80, s13, s19, $0xb8;
	[tilespmem:$0x1E980] =	vst v63  }
0x18b: {  	_ =	swait.ge [sflag:s26], $0x3000  }
0x18c: {  	[sflag:s26] =	ssyncset.done $0x0  }
0x18d: {  	s14 =	rddreg [dreg:$0x17];
	[sflag:s26] =	ssyncadd.s32 $0xFFFFD000  }
0x18e: {  	[spmem:s3] =	stream.indirect.scatter.add.f32 [tilespmem:s23], [sflag:$0x6], $0x80, s14, s19, $0xb8;
	[tilespmem:$0x1E980] =	vst v63  }
0x18f: {  	_ =	swait.ge [sflag:s28], $0x3000  }
0x190: {  	[sflag:s28] =	ssyncset.done $0x0  }
0x191: {  	s6 =	rddreg [dreg:$0x18];
	[sflag:s28] =	ssyncadd.s32 $0xFFFFD000  }
0x192: {  	[tilespmem:s21], [sflag:$0x2] =	stream.indirect.gather [hbm4b:s1+s19], $0x80, s6, s19, $0xb8;
	[tilespmem:$0x1E980] =	vst v63  }
0x193: {  	_ =	swait.ge [sflag:s22], $0x3000  }
0x194: {  	[sflag:s22] =	ssyncset.done $0x0  }
0x195: {  	s13 =	rddreg [dreg:$0x19];
	[sflag:s22] =	ssyncadd.s32 $0xFFFFD000  }
0x196: {  	[spmem:s3] =	stream.indirect.scatter.add.f32 [tilespmem:s20], [sflag:$0x4], $0x80, s13, s19, $0xb8;
	[tilespmem:$0x1E980] =	vst v63  }
0x197: {  	_ =	swait.ge [sflag:s29], $0x3000  }
0x198: {  	[sflag:s29] =	ssyncset.done $0x0  }
0x199: {  	s14 =	rddreg [dreg:$0x1a];
	[sflag:s29] =	ssyncadd.s32 $0xFFFFD000  }
0x19a: {  	[tilespmem:s23], [sflag:$0x3] =	stream.indirect.gather [hbm4b:s1+s19], $0x80, s14, s19, $0xb8;
	[tilespmem:$0x1E980] =	vst v63  }
0x19b: {  	_ =	swait.ge [sflag:s24], $0x3000  }
0x19c: {  	[sflag:s24] =	ssyncset.done $0x0  }
0x19d: {  	s6 =	rddreg [dreg:$0x1b];
	[sflag:s24] =	ssyncadd.s32 $0xFFFFD000  }
0x19e: {  	[spmem:s3] =	stream.indirect.scatter.add.f32 [tilespmem:s21], [sflag:$0x5], $0x80, s6, s19, $0xb8;
	[tilespmem:$0x1E980] =	vst v63  }
0x19f: {  	_ =	swait.ge [sflag:s25], $0x3000  }
0x1a0: {  	[sflag:s25] =	ssyncset.done $0x0  }
0x1a1: {  	s13 =	rddreg [dreg:$0x1c];
	[sflag:s25] =	ssyncadd.s32 $0xFFFFD000  }
0x1a2: {  	[tilespmem:s20], [sflag:$0x1] =	stream.indirect.gather [hbm4b:s1+s19], $0x80, s13, s19, $0xb8;
	[tilespmem:$0x1E980] =	vst v63  }
0x1a3: {  	_ =	swait.ge [sflag:s26], $0x3000  }
0x1a4: {  	[sflag:s26] =	ssyncset.done $0x0  }
0x1a5: {  	s14 =	rddreg [dreg:$0x1d];
	[sflag:s26] =	ssyncadd.s32 $0xFFFFD000  }
0x1a6: {  	[spmem:s3] =	stream.indirect.scatter.add.f32 [tilespmem:s23], [sflag:$0x6], $0x80, s14, s19, $0xb8;
	[tilespmem:$0x1E980] =	vst v63  }
0x1a7: {  	_ =	swait.ge [sflag:s28], $0x3000  }
0x1a8: {  	[sflag:s28] =	ssyncset.done $0x0  }
0x1a9: {  	s6 =	rddreg [dreg:$0x1e];
	[sflag:s28] =	ssyncadd.s32 $0xFFFFD000  }
0x1aa: {  	[tilespmem:s21], [sflag:$0x2] =	stream.indirect.gather [hbm4b:s1+s19], $0x80, s6, s19, $0xb8;
	[tilespmem:$0x1E980] =	vst v63  }
0x1ab: {  	_ =	swait.ge [sflag:s22], $0x3000  }
0x1ac: {  	[sflag:s22] =	ssyncset.done $0x0  }
0x1ad: {  	s13 =	rddreg [dreg:$0x1f];
	[sflag:s22] =	ssyncadd.s32 $0xFFFFD000  }
0x1ae: {  	[spmem:s3] =	stream.indirect.scatter.add.f32 [tilespmem:s20], [sflag:$0x4], $0x80, s13, s19, $0xb8;
	[tilespmem:$0x1E980] =	vst v63  }
0x1af: {  	_ =	swait.ge [sflag:s29], $0x3000  }
0x1b0: {  	s14 =	sld [smem:$0x7E9]  }
0x1b1: {  	[sflag:s29] =	ssyncset.done $0x0  }
0x1b2: {  	[sflag:s29] =	ssyncadd.s32 $0xFFFFD000  }
0x1b3: {  	[tilespmem:s23], [sflag:$0x3] =	stream.indirect.gather [hbm4b:s1+s19], $0x80, s14, s19, $0xb8;
	[tilespmem:$0x1E980] =	vst v63  }
0x1b4: {  	_ =	swait.ge [sflag:s24], $0x3000  }
0x1b5: {  	s6 =	sld [smem:$0x7EA]  }
0x1b6: {  	[sflag:s24] =	ssyncset.done $0x0  }
0x1b7: {  	[sflag:s24] =	ssyncadd.s32 $0xFFFFD000  }
0x1b8: {  	[spmem:s3] =	stream.indirect.scatter.add.f32 [tilespmem:s21], [sflag:$0x5], $0x80, s6, s19, $0xb8;
	[tilespmem:$0x1E980] =	vst v63  }
0x1b9: {  	_ =	swait.ge [sflag:s25], $0x3000  }
0x1ba: {  	s13 =	sld [smem:$0x7EC]  }
0x1bb: {  	[sflag:s25] =	ssyncset.done $0x0  }
0x1bc: {  	[sflag:s25] =	ssyncadd.s32 $0xFFFFD000  }
0x1bd: {  	[tilespmem:s20], [sflag:$0x1] =	stream.indirect.gather [hbm4b:s1+s19], $0x80, s13, s19, $0xb8;
	[tilespmem:$0x1E980] =	vst v63  }
0x1be: {  	_ =	swait.ge [sflag:s26], $0x3000  }
0x1bf: {  	s14 =	sld [smem:$0x7EE]  }
0x1c0: {  	[sflag:s26] =	ssyncset.done $0x0  }
0x1c1: {  	[sflag:s26] =	ssyncadd.s32 $0xFFFFD000  }
0x1c2: {  	[spmem:s3] =	stream.indirect.scatter.add.f32 [tilespmem:s23], [sflag:$0x6], $0x80, s14, s19, $0xb8;
	[tilespmem:$0x1E980] =	vst v63  }
0x1c3: {  	_ =	swait.ge [sflag:s28], $0x3000  }
0x1c4: {  	s6 =	sld [smem:$0x7EF]  }
0x1c5: {  	[sflag:s28] =	ssyncset.done $0x0  }
0x1c6: {  	[sflag:s28] =	ssyncadd.s32 $0xFFFFD000  }
0x1c7: {  	[tilespmem:s21], [sflag:$0x2] =	stream.indirect.gather [hbm4b:s1+s19], $0x80, s6, s19, $0xb8;
	[tilespmem:$0x1E980] =	vst v63  }
0x1c8: {  	_ =	swait.ge [sflag:s22], $0x3000  }
0x1c9: {  	s13 =	sld [smem:$0x7F0]  }
0x1ca: {  	[sflag:s22] =	ssyncset.done $0x0  }
0x1cb: {  	[sflag:s22] =	ssyncadd.s32 $0xFFFFD000  }
0x1cc: {  	[spmem:s3] =	stream.indirect.scatter.add.f32 [tilespmem:s20], [sflag:$0x4], $0x80, s13, s19, $0xb8;
	[tilespmem:$0x1E980] =	vst v63  }
0x1cd: {  	_ =	swait.ge [sflag:s29], $0x3000  }
0x1ce: {  	s14 =	sld [smem:$0x7F1]  }
0x1cf: {  	[sflag:s29] =	ssyncset.done $0x0  }
0x1d0: {  	[sflag:s29] =	ssyncadd.s32 $0xFFFFD000  }
0x1d1: {  	[tilespmem:s23], [sflag:$0x3] =	stream.indirect.gather [hbm4b:s1+s19], $0x80, s14, s19, $0xb8;
	[tilespmem:$0x1E980] =	vst v63  }
0x1d2: {  	_ =	swait.ge [sflag:s24], $0x3000  }
0x1d3: {  	s6 =	sld [smem:$0x7F2]  }
0x1d4: {  	[sflag:s24] =	ssyncset.done $0x0  }
0x1d5: {  	[sflag:s24] =	ssyncadd.s32 $0xFFFFD000  }
0x1d6: {  	[spmem:s3] =	stream.indirect.scatter.add.f32 [tilespmem:s21], [sflag:$0x5], $0x80, s6, s19, $0xb8;
	[tilespmem:$0x1E980] =	vst v63  }
0x1d7: {  	_ =	swait.ge [sflag:s25], $0x3000  }
0x1d8: {  	s13 =	sld [smem:$0x7F3]  }
0x1d9: {  	[sflag:s25] =	ssyncset.done $0x0  }
0x1da: {  	[sflag:s25] =	ssyncadd.s32 $0xFFFFD000  }
0x1db: {  	[tilespmem:s20], [sflag:$0x1] =	stream.indirect.gather [hbm4b:s1+s19], $0x80, s13, s19, $0xb8;
	[tilespmem:$0x1E980] =	vst v63  }
0x1dc: {  	_ =	swait.ge [sflag:s26], $0x3000  }
0x1dd: {  	s14 =	sld [smem:$0x7F4]  }
0x1de: {  	[sflag:s26] =	ssyncset.done $0x0  }
0x1df: {  	[sflag:s26] =	ssyncadd.s32 $0xFFFFD000  }
0x1e0: {  	[spmem:s3] =	stream.indirect.scatter.add.f32 [tilespmem:s23], [sflag:$0x6], $0x80, s14, s19, $0xb8;
	[tilespmem:$0x1E980] =	vst v63  }
0x1e1: {  	_ =	swait.ge [sflag:s28], $0x3000  }
0x1e2: {  	s6 =	sld [smem:$0x7F5]  }
0x1e3: {  	[sflag:s28] =	ssyncset.done $0x0  }
0x1e4: {  	[sflag:s28] =	ssyncadd.s32 $0xFFFFD000  }
0x1e5: {  	[tilespmem:s21], [sflag:$0x2] =	stream.indirect.gather [hbm4b:s1+s19], $0x80, s6, s19, $0xb8;
	[tilespmem:$0x1E980] =	vst v63  }
0x1e6: {  	_ =	swait.ge [sflag:s22], $0x3000  }
0x1e7: {  	s13 =	sld [smem:$0x7F6]  }
0x1e8: {  	[sflag:s22] =	ssyncset.done $0x0  }
0x1e9: {  	[sflag:s22] =	ssyncadd.s32 $0xFFFFD000  }
0x1ea: {  	[spmem:s3] =	stream.indirect.scatter.add.f32 [tilespmem:s20], [sflag:$0x4], $0x80, s13, s19, $0xb8;
	[tilespmem:$0x1E980] =	vst v63  }
0x1eb: {  	_ =	swait.ge [sflag:s29], $0x3000  }
0x1ec: {  	s14 =	sld [smem:$0x7F7]  }
0x1ed: {  	[sflag:s29] =	ssyncset.done $0x0  }
0x1ee: {  	[sflag:s29] =	ssyncadd.s32 $0xFFFFD000  }
0x1ef: {  	[tilespmem:s23], [sflag:$0x3] =	stream.indirect.gather [hbm4b:s1+s19], $0x80, s14, s19, $0xb8;
	[tilespmem:$0x1E980] =	vst v63  }
0x1f0: {  	_ =	swait.ge [sflag:s24], $0x3000  }
0x1f1: {  	s6 =	sld [smem:$0x7F8]  }
0x1f2: {  	[sflag:s24] =	ssyncset.done $0x0  }
0x1f3: {  	[sflag:s24] =	ssyncadd.s32 $0xFFFFD000  }
0x1f4: {  	[spmem:s3] =	stream.indirect.scatter.add.f32 [tilespmem:s21], [sflag:$0x5], $0x80, s6, s19, $0xb8;
	[tilespmem:$0x1E980] =	vst v63  }
0x1f5: {  	_ =	swait.ge [sflag:s25], $0x3000  }
0x1f6: {  	s13 =	sld [smem:$0x7F9]  }
0x1f7: {  	[sflag:s25] =	ssyncset.done $0x0  }
0x1f8: {  	[sflag:s25] =	ssyncadd.s32 $0xFFFFD000  }
0x1f9: {  	[tilespmem:s20], [sflag:$0x1] =	stream.indirect.gather [hbm4b:s1+s19], $0x80, s13, s19, $0xb8;
	[tilespmem:$0x1E980] =	vst v63  }
0x1fa: {  	_ =	swait.ge [sflag:s26], $0x3000  }
0x1fb: {  	s14 =	sld [smem:$0x7FA]  }
0x1fc: {  	[sflag:s26] =	ssyncset.done $0x0  }
0x1fd: {  	[sflag:s26] =	ssyncadd.s32 $0xFFFFD000  }
0x1fe: {  	[spmem:s3] =	stream.indirect.scatter.add.f32 [tilespmem:s23], [sflag:$0x6], $0x80, s14, s19, $0xb8;
	[tilespmem:$0x1E980] =	vst v63  }
0x1ff: {  	_ =	swait.ge [sflag:s28], $0x3000  }
0x200: {  	[sflag:s28] =	ssyncset.done $0x0  }
0x201: {  	[sflag:s28] =	ssyncadd.s32 $0xFFFFD000  }
0x202: {  	[tilespmem:s21], [sflag:$0x2] =	stream.indirect.gather [hbm4b:s1+s19], $0x80, s30, s19, $0xb8;
	[tilespmem:$0x1E980] =	vst v63  }
0x203: {  	_ =	swait.ge [sflag:s22], $0x3000  }
0x204: {  	[sflag:s22] =	ssyncset.done $0x0  }
0x205: {  	[sflag:s22] =	ssyncadd.s32 $0xFFFFD000  }
0x206: {  	[spmem:s3] =	stream.indirect.scatter.add.f32 [tilespmem:s20], [sflag:$0x4], $0x80, s31, s19, $0xb8;
	[tilespmem:$0x1E980] =	vst v63  }
0x207: {  	_ =	swait.ge [sflag:s29], $0x3000  }
0x208: {  	[sflag:s29] =	ssyncset.done $0x0  }
0x209: {  	[sflag:s29] =	ssyncadd.s32 $0xFFFFD000  }
0x20a: {  	[tilespmem:s23], [sflag:$0x3] =	stream.indirect.gather [hbm4b:s1+s19], $0x80, s0, s19, $0xb8;
	[tilespmem:$0x1E980] =	vst v63  }
0x20b: {  	_ =	swait.ge [sflag:s24], $0x3000  }
0x20c: {  	[sflag:s24] =	ssyncset.done $0x0  }
0x20d: {  	[sflag:s24] =	ssyncadd.s32 $0xFFFFD000  }
0x20e: {  	[spmem:s3] =	stream.indirect.scatter.add.f32 [tilespmem:s21], [sflag:$0x5], $0x80, s8, s19, $0xb8;
	[tilespmem:$0x1E980] =	vst v63  }
0x20f: {  	_ =	swait.ge [sflag:s25], $0x3000  }
0x210: {  	[sflag:s25] =	ssyncset.done $0x0  }
0x211: {  	[sflag:s25] =	ssyncadd.s32 $0xFFFFD000  }
0x212: {  	[tilespmem:s20], [sflag:$0x1] =	stream.indirect.gather [hbm4b:s1+s19], $0x80, s9, s19, $0xb8;
	[tilespmem:$0x1E980] =	vst v63  }
0x213: {  	_ =	swait.ge [sflag:s26], $0x3000  }
0x214: {  	[sflag:s26] =	ssyncset.done $0x0  }
0x215: {  	[sflag:s26] =	ssyncadd.s32 $0xFFFFD000  }
0x216: {  	[spmem:s3] =	stream.indirect.scatter.add.f32 [tilespmem:s23], [sflag:$0x6], $0x80, s10, s19, $0xb8;
	[tilespmem:$0x1E980] =	vst v63  }
0x217: {  	_ =	swait.ge [sflag:s28], $0x3000  }
0x218: {  	[sflag:s28] =	ssyncset.done $0x0  }
0x219: {  	[sflag:s28] =	ssyncadd.s32 $0xFFFFD000  }
0x21a: {  	[tilespmem:s21], [sflag:$0x2] =	stream.indirect.gather [hbm4b:s1+s19], $0x80, s15, s19, $0xb8;
	[tilespmem:$0x1E980] =	vst v63  }
0x21b: {  	_ =	swait.ge [sflag:s22], $0x3000  }
0x21c: {  	[sflag:s22] =	ssyncset.done $0x0  }
0x21d: {  	[sflag:s22] =	ssyncadd.s32 $0xFFFFD000  }
0x21e: {  	[spmem:s3] =	stream.indirect.scatter.add.f32 [tilespmem:s20], [sflag:$0x4], $0x80, s11, s19, $0xb8;
	[tilespmem:$0x1E980] =	vst v63  }
0x21f: {  	_ =	swait.ge [sflag:s24], $0x3000  }
0x220: {  	[sflag:s24] =	ssyncset.done $0x0  }
0x221: {  	s5 =	sadd.s32 $0x200, s5;
	[sflag:s24] =	ssyncadd.s32 $0xFFFFD000  }
0x222: {  	[spmem:s3] =	stream.indirect.scatter.add.f32 [tilespmem:s21], [sflag:$0x5], $0x80, s17, s19, $0xb8;
	[tilespmem:$0x1E980] =	vst v63  }
0x223: {  	p1 =	sne.s32 s5, $0x800;
	_ =	swait.ge [sflag:s29], $0x3000  }
.Ltmp0:
0x224: {  	[sflag:s29] =	ssyncset.done $0x0;
	(pc) =	sbr.rel @p1 .LBB2_2-.Ltmp0, $4  }
0x225: {  	[sflag:s29] =	ssyncadd.s32 $0xFFFFD000  }
0x226: {  	_ =	swait.ge [sflag:s25], $0x3000  }
0x227: {  	[sflag:s25] =	ssyncset.done $0x0  }
0x228: {  	[sflag:s25] =	ssyncadd.s32 $0xFFFFD000  }
0x229: {  	_ =	swait.ge [sflag:s28], $0x3000  }
0x22a: {  	s5 =	rddreg [dreg:$0x6];
	[sflag:s28] =	ssyncset.done $0x0  }
0x22b: {  	[sflag:s28] =	ssyncadd.s32 $0xFFFFD000;
	s5 =	sadd.s32 s12, s5  }
0x22c: {  	[tilespmem:s4], [sflag:$0x8] =	stream.linear.gather [hbm4b:s5+s4], $0xD00, $0x38;
	[tilespmem:$0x1E980] =	vst v63  }
0x22d: {  	_ =	swait.ge [sflag:s16], $0xD00  }
0x22e: {  	s6 =	rddreg [dreg:$0x5];
	[sflag:s16] =	ssyncset.done $0x0  }
0x22f: {  	[sflag:s16] =	ssyncadd.s32 $0xFFFFF300;
	s5 =	sadd.s32 s12, s6  }
0x230: {  	[tilespmem:s18], [sflag:$0x8] =	stream.linear.gather [hbm4b:s5+s4], $0xD00, $0x38;
	[tilespmem:$0x1E980] =	vst v63  }
0x231: {  	_ =	swait.ge [sflag:s16], $0xD00  }
0x232: {  	[sflag:s16] =	ssyncset.done $0x0  }
0x233: {  	p1 =	sne.s32 s12, $0x0;
	[sflag:s16] =	ssyncadd.s32 $0xFFFFF300  }
0x234: {  	[tilespmem:s20], [sflag:$0x1] =	stream.indirect.gather [hbm4b:s1+s19], $0x80, s4, s19, $0xb8;
	[tilespmem:$0x1E980] =	vst v63  }
0x235: {  	s5 =	simm.s32 @!p1 $0x7;
	s7 =	rddreg [dreg:$0x7]  }
0x236: {  	[tilespmem:s21], [sflag:$0x2] =	stream.indirect.gather [hbm4b:s1+s19], $0x80, s7, s19, $0xb8;
	[tilespmem:$0x1E980] =	vst v63  }
0x237: {  	p2 =	sne.s32 @!p1 s2, $0xF;
	_ =	swait.ge @!p1 [sflag:s5], $0x2700  }
0x238: {  	p2 =	por p2, p1;
	[sflag:s5] =	ssyncset.done @!p1 $0x0  }
0x239: {  	[sflag:s5] =	ssyncadd.s32 @!p1 $0xFFFFD900;
	s5 =	simm.s32 @!p2 $0x7  }
0x23a: {  	_ =	swait.ge @!p2 [sflag:s5], $0x100  }
0x23b: {  	[sflag:s5] =	ssyncset.done @!p2 $0x0  }
0x23c: {  	[sflag:s5] =	ssyncadd.s32 @!p2 $0xFFFFFF00  }
0x23d: {  	[bflag:$0x0] =	sbarrier.arrive @!p1 $0xFFFF  }
0x23e: {  	_ =	swait.ge [sflag:s22], $0x3000  }
0x23f: {  	[sflag:s22] =	ssyncset.done $0x0  }
0x240: {  	[sflag:s22] =	ssyncadd.s32 $0xFFFFD000  }
0x241: {  	[spmem:s3] =	stream.indirect.scatter.add.f32 [tilespmem:s20], [sflag:$0x4], $0x80, s18, s19, $0xb8;
	[tilespmem:$0x1E980] =	vst v63  }
0x242: {  	s13 =	rddreg [dreg:$0x8]  }
0x243: {  	[tilespmem:s23], [sflag:$0x3] =	stream.indirect.gather [hbm4b:s1+s19], $0x80, s13, s19, $0xb8;
	[tilespmem:$0x1E980] =	vst v63  }
0x244: {  	_ =	swait.ge [sflag:s24], $0x3000  }
0x245: {  	[sflag:s24] =	ssyncset.done $0x0  }
0x246: {  	s14 =	rddreg [dreg:$0x9];
	[sflag:s24] =	ssyncadd.s32 $0xFFFFD000  }
0x247: {  	[spmem:s3] =	stream.indirect.scatter.add.f32 [tilespmem:s21], [sflag:$0x5], $0x80, s14, s19, $0xb8;
	[tilespmem:$0x1E980] =	vst v63  }
0x248: {  	_ =	swait.ge [sflag:s25], $0x3000  }
0x249: {  	[sflag:s25] =	ssyncset.done $0x0  }
0x24a: {  	s6 =	rddreg [dreg:$0xa];
	[sflag:s25] =	ssyncadd.s32 $0xFFFFD000  }
0x24b: {  	[tilespmem:s20], [sflag:$0x1] =	stream.indirect.gather [hbm4b:s1+s19], $0x80, s6, s19, $0xb8;
	[tilespmem:$0x1E980] =	vst v63  }
0x24c: {  	_ =	swait.ge [sflag:s26], $0x3000  }
0x24d: {  	[sflag:s26] =	ssyncset.done $0x0  }
0x24e: {  	s7 =	rddreg [dreg:$0xb];
	[sflag:s26] =	ssyncadd.s32 $0xFFFFD000  }
0x24f: {  	[spmem:s3] =	stream.indirect.scatter.add.f32 [tilespmem:s23], [sflag:$0x6], $0x80, s7, s19, $0xb8;
	[tilespmem:$0x1E980] =	vst v63  }
0x250: {  	_ =	swait.ge [sflag:s28], $0x3000  }
0x251: {  	[sflag:s28] =	ssyncset.done $0x0  }
0x252: {  	s12 =	rddreg [dreg:$0xc];
	[sflag:s28] =	ssyncadd.s32 $0xFFFFD000  }
0x253: {  	[tilespmem:s21], [sflag:$0x2] =	stream.indirect.gather [hbm4b:s1+s19], $0x80, s12, s19, $0xb8;
	[tilespmem:$0x1E980] =	vst v63  }
0x254: {  	_ =	swait.ge [sflag:s22], $0x3000  }
0x255: {  	[sflag:s22] =	ssyncset.done $0x0  }
0x256: {  	s13 =	rddreg [dreg:$0xd];
	[sflag:s22] =	ssyncadd.s32 $0xFFFFD000  }
0x257: {  	[spmem:s3] =	stream.indirect.scatter.add.f32 [tilespmem:s20], [sflag:$0x4], $0x80, s13, s19, $0xb8;
	[tilespmem:$0x1E980] =	vst v63  }
0x258: {  	_ =	swait.ge [sflag:s29], $0x3000  }
0x259: {  	[sflag:s29] =	ssyncset.done $0x0  }
0x25a: {  	s14 =	rddreg [dreg:$0xe];
	[sflag:s29] =	ssyncadd.s32 $0xFFFFD000  }
0x25b: {  	[tilespmem:s23], [sflag:$0x3] =	stream.indirect.gather [hbm4b:s1+s19], $0x80, s14, s19, $0xb8;
	[tilespmem:$0x1E980] =	vst v63  }
0x25c: {  	_ =	swait.ge [sflag:s24], $0x3000  }
0x25d: {  	[sflag:s24] =	ssyncset.done $0x0  }
0x25e: {  	s6 =	rddreg [dreg:$0xf];
	[sflag:s24] =	ssyncadd.s32 $0xFFFFD000  }
0x25f: {  	[spmem:s3] =	stream.indirect.scatter.add.f32 [tilespmem:s21], [sflag:$0x5], $0x80, s6, s19, $0xb8;
	[tilespmem:$0x1E980] =	vst v63  }
0x260: {  	_ =	swait.ge [sflag:s25], $0x3000  }
0x261: {  	[sflag:s25] =	ssyncset.done $0x0  }
0x262: {  	s7 =	rddreg [dreg:$0x10];
	[sflag:s25] =	ssyncadd.s32 $0xFFFFD000  }
0x263: {  	[tilespmem:s20], [sflag:$0x1] =	stream.indirect.gather [hbm4b:s1+s19], $0x80, s7, s19, $0xb8;
	[tilespmem:$0x1E980] =	vst v63  }
0x264: {  	_ =	swait.ge [sflag:s26], $0x3000  }
0x265: {  	[sflag:s26] =	ssyncset.done $0x0  }
0x266: {  	s12 =	rddreg [dreg:$0x11];
	[sflag:s26] =	ssyncadd.s32 $0xFFFFD000  }
0x267: {  	[spmem:s3] =	stream.indirect.scatter.add.f32 [tilespmem:s23], [sflag:$0x6], $0x80, s12, s19, $0xb8;
	[tilespmem:$0x1E980] =	vst v63  }
0x268: {  	_ =	swait.ge [sflag:s28], $0x3000  }
0x269: {  	[sflag:s28] =	ssyncset.done $0x0  }
0x26a: {  	s13 =	rddreg [dreg:$0x12];
	[sflag:s28] =	ssyncadd.s32 $0xFFFFD000  }
0x26b: {  	[tilespmem:s21], [sflag:$0x2] =	stream.indirect.gather [hbm4b:s1+s19], $0x80, s13, s19, $0xb8;
	[tilespmem:$0x1E980] =	vst v63  }
0x26c: {  	_ =	swait.ge [sflag:s22], $0x3000  }
0x26d: {  	[sflag:s22] =	ssyncset.done $0x0  }
0x26e: {  	s14 =	rddreg [dreg:$0x13];
	[sflag:s22] =	ssyncadd.s32 $0xFFFFD000  }
0x26f: {  	[spmem:s3] =	stream.indirect.scatter.add.f32 [tilespmem:s20], [sflag:$0x4], $0x80, s14, s19, $0xb8;
	[tilespmem:$0x1E980] =	vst v63  }
0x270: {  	_ =	swait.ge [sflag:s29], $0x3000  }
0x271: {  	[sflag:s29] =	ssyncset.done $0x0  }
0x272: {  	s6 =	rddreg [dreg:$0x14];
	[sflag:s29] =	ssyncadd.s32 $0xFFFFD000  }
0x273: {  	[tilespmem:s23], [sflag:$0x3] =	stream.indirect.gather [hbm4b:s1+s19], $0x80, s6, s19, $0xb8;
	[tilespmem:$0x1E980] =	vst v63  }
0x274: {  	_ =	swait.ge [sflag:s24], $0x3000  }
0x275: {  	[sflag:s24] =	ssyncset.done $0x0  }
0x276: {  	s7 =	rddreg [dreg:$0x15];
	[sflag:s24] =	ssyncadd.s32 $0xFFFFD000  }
0x277: {  	[spmem:s3] =	stream.indirect.scatter.add.f32 [tilespmem:s21], [sflag:$0x5], $0x80, s7, s19, $0xb8;
	[tilespmem:$0x1E980] =	vst v63  }
0x278: {  	_ =	swait.ge [sflag:s25], $0x3000  }
0x279: {  	[sflag:s25] =	ssyncset.done $0x0  }
0x27a: {  	s12 =	rddreg [dreg:$0x16];
	[sflag:s25] =	ssyncadd.s32 $0xFFFFD000  }
0x27b: {  	[tilespmem:s20], [sflag:$0x1] =	stream.indirect.gather [hbm4b:s1+s19], $0x80, s12, s19, $0xb8;
	[tilespmem:$0x1E980] =	vst v63  }
0x27c: {  	_ =	swait.ge [sflag:s26], $0x3000  }
0x27d: {  	[sflag:s26] =	ssyncset.done $0x0  }
0x27e: {  	s13 =	rddreg [dreg:$0x17];
	[sflag:s26] =	ssyncadd.s32 $0xFFFFD000  }
0x27f: {  	[spmem:s3] =	stream.indirect.scatter.add.f32 [tilespmem:s23], [sflag:$0x6], $0x80, s13, s19, $0xb8;
	[tilespmem:$0x1E980] =	vst v63  }
0x280: {  	_ =	swait.ge [sflag:s28], $0x3000  }
0x281: {  	[sflag:s28] =	ssyncset.done $0x0  }
0x282: {  	s14 =	rddreg [dreg:$0x18];
	[sflag:s28] =	ssyncadd.s32 $0xFFFFD000  }
0x283: {  	[tilespmem:s21], [sflag:$0x2] =	stream.indirect.gather [hbm4b:s1+s19], $0x80, s14, s19, $0xb8;
	[tilespmem:$0x1E980] =	vst v63  }
0x284: {  	_ =	swait.ge [sflag:s22], $0x3000  }
0x285: {  	[sflag:s22] =	ssyncset.done $0x0  }
0x286: {  	s6 =	rddreg [dreg:$0x19];
	[sflag:s22] =	ssyncadd.s32 $0xFFFFD000  }
0x287: {  	[spmem:s3] =	stream.indirect.scatter.add.f32 [tilespmem:s20], [sflag:$0x4], $0x80, s6, s19, $0xb8;
	[tilespmem:$0x1E980] =	vst v63  }
0x288: {  	_ =	swait.ge [sflag:s29], $0x3000  }
0x289: {  	[sflag:s29] =	ssyncset.done $0x0  }
0x28a: {  	s7 =	rddreg [dreg:$0x1a];
	[sflag:s29] =	ssyncadd.s32 $0xFFFFD000  }
0x28b: {  	[tilespmem:s23], [sflag:$0x3] =	stream.indirect.gather [hbm4b:s1+s19], $0x80, s7, s19, $0xb8;
	[tilespmem:$0x1E980] =	vst v63  }
0x28c: {  	_ =	swait.ge [sflag:s24], $0x3000  }
0x28d: {  	[sflag:s24] =	ssyncset.done $0x0  }
0x28e: {  	s12 =	rddreg [dreg:$0x1b];
	[sflag:s24] =	ssyncadd.s32 $0xFFFFD000  }
0x28f: {  	[spmem:s3] =	stream.indirect.scatter.add.f32 [tilespmem:s21], [sflag:$0x5], $0x80, s12, s19, $0xb8;
	[tilespmem:$0x1E980] =	vst v63  }
0x290: {  	_ =	swait.ge [sflag:s25], $0x3000  }
0x291: {  	[sflag:s25] =	ssyncset.done $0x0  }
0x292: {  	s13 =	rddreg [dreg:$0x1c];
	[sflag:s25] =	ssyncadd.s32 $0xFFFFD000  }
0x293: {  	[tilespmem:s20], [sflag:$0x1] =	stream.indirect.gather [hbm4b:s1+s19], $0x80, s13, s19, $0xb8;
	[tilespmem:$0x1E980] =	vst v63  }
0x294: {  	_ =	swait.ge [sflag:s26], $0x3000  }
0x295: {  	[sflag:s26] =	ssyncset.done $0x0  }
0x296: {  	s14 =	rddreg [dreg:$0x1d];
	[sflag:s26] =	ssyncadd.s32 $0xFFFFD000  }
0x297: {  	[spmem:s3] =	stream.indirect.scatter.add.f32 [tilespmem:s23], [sflag:$0x6], $0x80, s14, s19, $0xb8;
	[tilespmem:$0x1E980] =	vst v63  }
0x298: {  	_ =	swait.ge [sflag:s28], $0x3000  }
0x299: {  	[sflag:s28] =	ssyncset.done $0x0  }
0x29a: {  	s6 =	rddreg [dreg:$0x1e];
	[sflag:s28] =	ssyncadd.s32 $0xFFFFD000  }
0x29b: {  	[tilespmem:s21], [sflag:$0x2] =	stream.indirect.gather [hbm4b:s1+s19], $0x80, s6, s19, $0xb8;
	[tilespmem:$0x1E980] =	vst v63  }
0x29c: {  	_ =	swait.ge [sflag:s22], $0x3000  }
0x29d: {  	[sflag:s22] =	ssyncset.done $0x0  }
0x29e: {  	s7 =	rddreg [dreg:$0x1f];
	[sflag:s22] =	ssyncadd.s32 $0xFFFFD000  }
0x29f: {  	[spmem:s3] =	stream.indirect.scatter.add.f32 [tilespmem:s20], [sflag:$0x4], $0x80, s7, s19, $0xb8;
	[tilespmem:$0x1E980] =	vst v63  }
0x2a0: {  	_ =	swait.ge [sflag:s29], $0x3000  }
0x2a1: {  	s12 =	sld [smem:$0x7E9]  }
0x2a2: {  	[sflag:s29] =	ssyncset.done $0x0  }
0x2a3: {  	[sflag:s29] =	ssyncadd.s32 $0xFFFFD000  }
0x2a4: {  	[tilespmem:s23], [sflag:$0x3] =	stream.indirect.gather [hbm4b:s1+s19], $0x80, s12, s19, $0xb8;
	[tilespmem:$0x1E980] =	vst v63  }
0x2a5: {  	_ =	swait.ge [sflag:s24], $0x3000  }
0x2a6: {  	s13 =	sld [smem:$0x7EA]  }
0x2a7: {  	[sflag:s24] =	ssyncset.done $0x0  }
0x2a8: {  	[sflag:s24] =	ssyncadd.s32 $0xFFFFD000  }
0x2a9: {  	[spmem:s3] =	stream.indirect.scatter.add.f32 [tilespmem:s21], [sflag:$0x5], $0x80, s13, s19, $0xb8;
	[tilespmem:$0x1E980] =	vst v63  }
0x2aa: {  	_ =	swait.ge [sflag:s25], $0x3000  }
0x2ab: {  	s14 =	sld [smem:$0x7EC]  }
0x2ac: {  	[sflag:s25] =	ssyncset.done $0x0  }
0x2ad: {  	[sflag:s25] =	ssyncadd.s32 $0xFFFFD000  }
0x2ae: {  	[tilespmem:s20], [sflag:$0x1] =	stream.indirect.gather [hbm4b:s1+s19], $0x80, s14, s19, $0xb8;
	[tilespmem:$0x1E980] =	vst v63  }
0x2af: {  	_ =	swait.ge [sflag:s26], $0x3000  }
0x2b0: {  	s6 =	sld [smem:$0x7EE]  }
0x2b1: {  	[sflag:s26] =	ssyncset.done $0x0  }
0x2b2: {  	[sflag:s26] =	ssyncadd.s32 $0xFFFFD000  }
0x2b3: {  	[spmem:s3] =	stream.indirect.scatter.add.f32 [tilespmem:s23], [sflag:$0x6], $0x80, s6, s19, $0xb8;
	[tilespmem:$0x1E980] =	vst v63  }
0x2b4: {  	_ =	swait.ge [sflag:s28], $0x3000  }
0x2b5: {  	s7 =	sld [smem:$0x7EF]  }
0x2b6: {  	[sflag:s28] =	ssyncset.done $0x0  }
0x2b7: {  	[sflag:s28] =	ssyncadd.s32 $0xFFFFD000  }
0x2b8: {  	[tilespmem:s21], [sflag:$0x2] =	stream.indirect.gather [hbm4b:s1+s19], $0x80, s7, s19, $0xb8;
	[tilespmem:$0x1E980] =	vst v63  }
0x2b9: {  	_ =	swait.ge [sflag:s22], $0x3000  }
0x2ba: {  	s12 =	sld [smem:$0x7F0]  }
0x2bb: {  	[sflag:s22] =	ssyncset.done $0x0  }
0x2bc: {  	[sflag:s22] =	ssyncadd.s32 $0xFFFFD000  }
0x2bd: {  	[spmem:s3] =	stream.indirect.scatter.add.f32 [tilespmem:s20], [sflag:$0x4], $0x80, s12, s19, $0xb8;
	[tilespmem:$0x1E980] =	vst v63  }
0x2be: {  	_ =	swait.ge [sflag:s29], $0x3000  }
0x2bf: {  	s13 =	sld [smem:$0x7F1]  }
0x2c0: {  	[sflag:s29] =	ssyncset.done $0x0  }
0x2c1: {  	[sflag:s29] =	ssyncadd.s32 $0xFFFFD000  }
0x2c2: {  	[tilespmem:s23], [sflag:$0x3] =	stream.indirect.gather [hbm4b:s1+s19], $0x80, s13, s19, $0xb8;
	[tilespmem:$0x1E980] =	vst v63  }
0x2c3: {  	_ =	swait.ge [sflag:s24], $0x3000  }
0x2c4: {  	s14 =	sld [smem:$0x7F2]  }
0x2c5: {  	[sflag:s24] =	ssyncset.done $0x0  }
0x2c6: {  	[sflag:s24] =	ssyncadd.s32 $0xFFFFD000  }
0x2c7: {  	[spmem:s3] =	stream.indirect.scatter.add.f32 [tilespmem:s21], [sflag:$0x5], $0x80, s14, s19, $0xb8;
	[tilespmem:$0x1E980] =	vst v63  }
0x2c8: {  	_ =	swait.ge [sflag:s25], $0x3000  }
0x2c9: {  	s6 =	sld [smem:$0x7F3]  }
0x2ca: {  	[sflag:s25] =	ssyncset.done $0x0  }
0x2cb: {  	[sflag:s25] =	ssyncadd.s32 $0xFFFFD000  }
0x2cc: {  	[tilespmem:s20], [sflag:$0x1] =	stream.indirect.gather [hbm4b:s1+s19], $0x80, s6, s19, $0xb8;
	[tilespmem:$0x1E980] =	vst v63  }
0x2cd: {  	_ =	swait.ge [sflag:s26], $0x3000  }
0x2ce: {  	s7 =	sld [smem:$0x7F4]  }
0x2cf: {  	[sflag:s26] =	ssyncset.done $0x0  }
0x2d0: {  	[sflag:s26] =	ssyncadd.s32 $0xFFFFD000  }
0x2d1: {  	[spmem:s3] =	stream.indirect.scatter.add.f32 [tilespmem:s23], [sflag:$0x6], $0x80, s7, s19, $0xb8;
	[tilespmem:$0x1E980] =	vst v63  }
0x2d2: {  	_ =	swait.ge [sflag:s28], $0x3000  }
0x2d3: {  	s12 =	sld [smem:$0x7F5]  }
0x2d4: {  	[sflag:s28] =	ssyncset.done $0x0  }
0x2d5: {  	[sflag:s28] =	ssyncadd.s32 $0xFFFFD000  }
0x2d6: {  	[tilespmem:s21], [sflag:$0x2] =	stream.indirect.gather [hbm4b:s1+s19], $0x80, s12, s19, $0xb8;
	[tilespmem:$0x1E980] =	vst v63  }
0x2d7: {  	_ =	swait.ge [sflag:s22], $0x3000  }
0x2d8: {  	s13 =	sld [smem:$0x7F6]  }
0x2d9: {  	[sflag:s22] =	ssyncset.done $0x0  }
0x2da: {  	[sflag:s22] =	ssyncadd.s32 $0xFFFFD000  }
0x2db: {  	[spmem:s3] =	stream.indirect.scatter.add.f32 [tilespmem:s20], [sflag:$0x4], $0x80, s13, s19, $0xb8;
	[tilespmem:$0x1E980] =	vst v63  }
0x2dc: {  	_ =	swait.ge [sflag:s29], $0x3000  }
0x2dd: {  	s14 =	sld [smem:$0x7F7]  }
0x2de: {  	[sflag:s29] =	ssyncset.done $0x0  }
0x2df: {  	[sflag:s29] =	ssyncadd.s32 $0xFFFFD000  }
0x2e0: {  	[tilespmem:s23], [sflag:$0x3] =	stream.indirect.gather [hbm4b:s1+s19], $0x80, s14, s19, $0xb8;
	[tilespmem:$0x1E980] =	vst v63  }
0x2e1: {  	_ =	swait.ge [sflag:s24], $0x3000  }
0x2e2: {  	s6 =	sld [smem:$0x7F8]  }
0x2e3: {  	[sflag:s24] =	ssyncset.done $0x0  }
0x2e4: {  	[sflag:s24] =	ssyncadd.s32 $0xFFFFD000  }
0x2e5: {  	[spmem:s3] =	stream.indirect.scatter.add.f32 [tilespmem:s21], [sflag:$0x5], $0x80, s6, s19, $0xb8;
	[tilespmem:$0x1E980] =	vst v63  }
0x2e6: {  	_ =	swait.ge [sflag:s25], $0x3000  }
0x2e7: {  	s7 =	sld [smem:$0x7F9]  }
0x2e8: {  	[sflag:s25] =	ssyncset.done $0x0  }
0x2e9: {  	[sflag:s25] =	ssyncadd.s32 $0xFFFFD000  }
0x2ea: {  	[tilespmem:s20], [sflag:$0x1] =	stream.indirect.gather [hbm4b:s1+s19], $0x80, s7, s19, $0xb8;
	[tilespmem:$0x1E980] =	vst v63  }
0x2eb: {  	_ =	swait.ge [sflag:s26], $0x3000  }
0x2ec: {  	s12 =	sld [smem:$0x7FA]  }
0x2ed: {  	[sflag:s26] =	ssyncset.done $0x0  }
0x2ee: {  	[sflag:s26] =	ssyncadd.s32 $0xFFFFD000  }
0x2ef: {  	[spmem:s3] =	stream.indirect.scatter.add.f32 [tilespmem:s23], [sflag:$0x6], $0x80, s12, s19, $0xb8;
	[tilespmem:$0x1E980] =	vst v63  }
0x2f0: {  	_ =	swait.ge [sflag:s28], $0x3000  }
0x2f1: {  	[sflag:s28] =	ssyncset.done $0x0  }
0x2f2: {  	[sflag:s28] =	ssyncadd.s32 $0xFFFFD000  }
0x2f3: {  	[tilespmem:s21], [sflag:$0x2] =	stream.indirect.gather [hbm4b:s1+s19], $0x80, s30, s19, $0xb8;
	[tilespmem:$0x1E980] =	vst v63  }
0x2f4: {  	_ =	swait.ge [sflag:s22], $0x3000  }
0x2f5: {  	[sflag:s22] =	ssyncset.done $0x0  }
0x2f6: {  	[sflag:s22] =	ssyncadd.s32 $0xFFFFD000  }
0x2f7: {  	[spmem:s3] =	stream.indirect.scatter.add.f32 [tilespmem:s20], [sflag:$0x4], $0x80, s31, s19, $0xb8;
	[tilespmem:$0x1E980] =	vst v63  }
0x2f8: {  	_ =	swait.ge [sflag:s29], $0x3000  }
0x2f9: {  	[sflag:s29] =	ssyncset.done $0x0  }
0x2fa: {  	[sflag:s29] =	ssyncadd.s32 $0xFFFFD000  }
0x2fb: {  	[tilespmem:s23], [sflag:$0x3] =	stream.indirect.gather [hbm4b:s1+s19], $0x80, s0, s19, $0xb8;
	[tilespmem:$0x1E980] =	vst v63  }
0x2fc: {  	_ =	swait.ge [sflag:s24], $0x3000  }
0x2fd: {  	[sflag:s24] =	ssyncset.done $0x0  }
0x2fe: {  	[sflag:s24] =	ssyncadd.s32 $0xFFFFD000  }
0x2ff: {  	[spmem:s3] =	stream.indirect.scatter.add.f32 [tilespmem:s21], [sflag:$0x5], $0x80, s8, s19, $0xb8;
	[tilespmem:$0x1E980] =	vst v63  }
0x300: {  	_ =	swait.ge [sflag:s25], $0x3000  }
0x301: {  	[sflag:s25] =	ssyncset.done $0x0  }
0x302: {  	[sflag:s25] =	ssyncadd.s32 $0xFFFFD000  }
0x303: {  	[tilespmem:s20], [sflag:$0x1] =	stream.indirect.gather [hbm4b:s1+s19], $0x80, s9, s19, $0xb8;
	[tilespmem:$0x1E980] =	vst v63  }
0x304: {  	_ =	swait.ge [sflag:s26], $0x3000  }
0x305: {  	[sflag:s26] =	ssyncset.done $0x0  }
0x306: {  	[sflag:s26] =	ssyncadd.s32 $0xFFFFD000  }
0x307: {  	[spmem:s3] =	stream.indirect.scatter.add.f32 [tilespmem:s23], [sflag:$0x6], $0x80, s10, s19, $0xb8;
	[tilespmem:$0x1E980] =	vst v63  }
0x308: {  	_ =	swait.ge [sflag:s28], $0x3000  }
0x309: {  	[sflag:s28] =	ssyncset.done $0x0  }
0x30a: {  	[sflag:s28] =	ssyncadd.s32 $0xFFFFD000  }
0x30b: {  	[tilespmem:s21], [sflag:$0x2] =	stream.indirect.gather [hbm4b:s1+s19], $0x80, s15, s19, $0xb8;
	[tilespmem:$0x1E980] =	vst v63  }
0x30c: {  	_ =	swait.ge [sflag:s22], $0x3000  }
0x30d: {  	[sflag:s22] =	ssyncset.done $0x0  }
0x30e: {  	[sflag:s22] =	ssyncadd.s32 $0xFFFFD000  }
0x30f: {  	[spmem:s3] =	stream.indirect.scatter.add.f32 [tilespmem:s20], [sflag:$0x4], $0x80, s11, s19, $0xb8;
	[tilespmem:$0x1E980] =	vst v63  }
0x310: {  	_ =	swait.ge [sflag:s24], $0x3000  }
0x311: {  	[sflag:s24] =	ssyncset.done $0x0  }
0x312: {  	[sflag:s24] =	ssyncadd.s32 $0xFFFFD000  }
0x313: {  	[spmem:s3] =	stream.indirect.scatter.add.f32 [tilespmem:s21], [sflag:$0x5], $0x80, s17, s19, $0xb8;
	[tilespmem:$0x1E980] =	vst v63  }
0x314: {  	_ =	swait.ge [sflag:s29], $0x3000  }
0x315: {  	[sflag:s29] =	ssyncset.done $0x0  }
0x316: {  	[sflag:s29] =	ssyncadd.s32 $0xFFFFD000  }
0x317: {  	_ =	swait.ge [sflag:s25], $0x3000  }
0x318: {  	[sflag:s25] =	ssyncset.done $0x0  }
0x319: {  	[sflag:s25] =	ssyncadd.s32 $0xFFFFD000  }
0x31a: {  	_ =	swait.ge [sflag:s28], $0x3000  }
0x31b: {  	[sflag:s28] =	ssyncset.done $0x0  }
0x31c: {  	s13 =	simm.s32 $0x10;
	s6 =	simm.s32 $0x2000;
	[sflag:s28] =	ssyncadd.s32 $0xFFFFD000  }
0x31d: {  	[tilespmem:s20], [sflag:$0x1] =	stream.indirect.gather [hbm4b:s1+s13], $0x80, s6, s13, $0xb8;
	[tilespmem:$0x1E980] =	vst v63  }
0x31e: {  	_ =	swait.ge [sflag:s22], $0x800  }
0x31f: {  	[sflag:s22] =	ssyncset.done $0x0  }
0x320: {  	s6 =	simm.s32 $0x2080;
	[sflag:s22] =	ssyncadd.s32 $0xFFFFF800  }
0x321: {  	[spmem:s3] =	stream.indirect.scatter.add.f32 [tilespmem:s20], [sflag:$0x8], $0x80, s6, s13, $0xb8;
	[tilespmem:$0x1E980] =	vst v63  }
0x322: {  	_ =	swait.ge [sflag:s16], $0x800  }
0x323: {  	[sflag:s16] =	ssyncset.done $0x0  }
0x324: {  	[sflag:s16] =	ssyncadd.s32 $0xFFFFF800  }
0x325: {  	[bflag:$0x0] =	sbarrier.arrive $0xFFFF  }
0x326: {  	s14 =	sld [smem:$0x7E4]  }
0x327: {  	s7 =	sld [smem:$0x7E8]  }
0x328: {  	s13 =	sld [smem:$0x7FC];
	_ =	sdelay $0x1  }
0x329: {  	s5 =	sor.u32 $0x1C08, s14  }
0x32a: {  	[hbm:s7], [sflag:s5] =	dma.local [spmem:s13], $0x2700  }
0x32b: {  	_ =	swait.ge [sflag:s16], $0x2700  }
0x32c: {  	s7 =	sld [smem:$0x7EB]  }
0x32d: {  	s12 =	sld [smem:$0x7FD]  }
0x32e: {  	[sflag:s16] =	ssyncset.done $0x0  }
0x32f: {  	[sflag:s16] =	ssyncadd.s32 $0xFFFFD900  }
0x330: {  	[hbm:s7], [sflag:s5] =	dma.local @!p0 [spmem:s12], $0x100  }
0x331: {  	s5 =	simm.s32 @!p0 $0x8  }
0x332: {  	_ =	swait.ge @!p0 [sflag:s5], $0x100  }
0x333: {  	s14 =	sld [smem:$0x7FB]  }
0x334: {  	s7 =	sld [smem:$0x7ED];
	_ =	sdelay $0x1  }
0x335: {  	s14 =	sadd.s32 $0x1, s14  }
0x336: {  	p1 =	sne.s32 s14, s7  }
.Ltmp1:
0x337: {  	_ = 	snop;
	(pc) =	sbr.rel @p1 .LBB2_1-.Ltmp1, $3  }
0x338: {  	_ =	sdelay $0x1  }
0x339: {  	[sflag:s5] =	ssyncset.done @!p0 $0x0  }
0x33a: {  	[sflag:s5] =	ssyncadd.s32 @!p0 $0xFFFFFF00;
	[smem:$0x7FB] =	sst s14;
	s14 =	simm.s32 $0x2000  }
0x33b: {  	_ =	sfence.sel $0x180000  }
0x33c: {  	[bflag:$0x0] =	sbarrier.arrive $0xFFFF  }
0x33d: {  	_ =	strace $0x90000047  }
0x33e: {  	[bflag:$0x2] =	sbarrier.arrive $0xFFFF  }
0x33f: {  	p0 =	sne.s32 s2, $0x0;
	s0 =	rddreg [dreg:$0x4]  }
0x340: {  	s0 =	sadd.s32 @!p0 $0x100000, s0  }
0x341: {  	[sflag:s0] =	ssyncadd.tile.s32 @!p0 $0x1;
	_ =	shalt  }
.Lfunc_end2:
_tile_overlayer_lowered:
.L_overlay_start_2:
0x342: {  	(tag) =	ssettag $0x2  }
0x343: {  	s0 =	rddreg [dreg:$0x0];
	s2 =	stileid.u32  }
0x344: {  	s1 =	rddreg [dreg:$0x1];
	p0 =	sne.s32 s2, $0x0  }
0x345: {  	s3 =	rddreg [dreg:$0x2];
	[bflag:$0x3] =	sbarrier.arrive $0xFFFF;
	s2 =	simm.s32 @!p0 $0x1C08  }
0x346: {  	[timem:s3], [sflag:s2] =	dma.local @!p0 [hbm:s0], s1  }
0x347: {  	s0 =	simm.s32 @!p0 $0x8  }
0x348: {  	_ =	swait.ge @!p0 [sflag:s0], s1  }
0x349: {  	s1 =	ssub.s32 @!p0 $0x0, s1;
	[sflag:s0] =	ssyncset.done @!p0 $0x0  }
0x34a: {  	[sflag:s0] =	ssyncadd.s32 @!p0 s1  }
0x34b: {  	[bflag:$0x3] =	sbarrier.arrive $0xFFFF  }
0x34c: {  	_ =	shalt  }

</sc_bundles>
